<compile_context>
chip_gen: v7x
topology: tpu7x:2x2x1
jax: 0.10.2.dev20260603
libtpu: 0.0.44.dev20260713+nightly
codegen_flags: <defaults>
</compile_context>

<pallas_src>
import dataclasses
import functools

import jax
import jax.numpy as jnp
from jax.experimental import pallas as pl
from jax.experimental.pallas import tpu as pltpu
from jax.experimental.pallas import tpu_sc as plsc

_N_CHANNELS = 96
_N_REGIONS = 128
_BOUND = 2.5
_SCALE = _N_REGIONS / (2.0 * _BOUND)
_SHIFT = _BOUND * _SCALE

_LANES = 16
_W = 224
_SLAB = 224
_CHUNK_ROWS = 56
_NBUF = 3

_NC = 2
_NS = 16


def _sc_pwlu(x2, a_flat, d_flat):
    rows, cols = x2.shape
    n_workers = _NC * _NS
    rows_per_worker = rows // n_workers
    slabs_per_worker = rows_per_worker // _SLAB
    chunks_per_slab = _SLAB // _CHUNK_ROWS

    mesh = plsc.VectorSubcoreMesh(core_axis_name="c", subcore_axis_name="s")
    cp = pltpu.CompilerParams()
    if "needs_layout_passes" in pltpu.CompilerParams.__dataclass_fields__:
        cp = dataclasses.replace(cp, needs_layout_passes=False)
    if "use_tc_tiling_on_sc" in pltpu.CompilerParams.__dataclass_fields__:
        cp = dataclasses.replace(cp, use_tc_tiling_on_sc=True)

    @functools.partial(
        pl.kernel,
        out_type=jax.ShapeDtypeStruct((rows, cols), jnp.float32),
        mesh=mesh,
        compiler_params=cp,
        scratch_types=[
            pltpu.VMEM((_N_CHANNELS * _N_REGIONS,), jnp.float32),
            pltpu.VMEM((_N_CHANNELS * _N_REGIONS,), jnp.float32),
            pltpu.VMEM((_NBUF, _CHUNK_ROWS, _W), jnp.float32),
            pltpu.VMEM((_NBUF, _CHUNK_ROWS, _W), jnp.float32),
            pltpu.SemaphoreType.DMA,
            pltpu.SemaphoreType.DMA,
            pltpu.SemaphoreType.DMA,
        ],
    )
    def run(x_hbm, a_hbm, d_hbm, o_hbm, a_v, d_v, x_b, o_b, sem_t, sem_i, sem_o):
        pltpu.async_copy(a_hbm, a_v, sem_t).wait()
        pltpu.async_copy(d_hbm, d_v, sem_t).wait()

        cid = jax.lax.axis_index("c")
        sid = jax.lax.axis_index("s")
        wid = sid * _NC + cid
        row0 = wid * rows_per_worker
        slab0 = wid * slabs_per_worker
        c0 = jax.lax.rem(slab0, _N_CHANNELS)

        n_chunks = slabs_per_worker * chunks_per_slab

        def chunk_row(k):
            return row0 + k * _CHUNK_ROWS

        def start_in(k, buf):
            return pltpu.make_async_copy(
                x_hbm.at[pl.ds(chunk_row(k), _CHUNK_ROWS), :],
                x_b.at[buf],
                sem_i,
            )

        def start_out(k, buf):
            return pltpu.make_async_copy(
                o_b.at[buf],
                o_hbm.at[pl.ds(chunk_row(k), _CHUNK_ROWS), :],
                sem_o,
            )

        def compute(buf, c):
            base = c * _N_REGIONS
            a_t = a_v.at[pl.ds(base, _N_REGIONS)]
            d_t = d_v.at[pl.ds(base, _N_REGIONS)]

            @plsc.parallel_loop(0, _CHUNK_ROWS, 1)
            def _(r):
                @plsc.parallel_loop(0, _W, _LANES, unroll=_W // _LANES)
                def _(j):
                    xv = x_b[buf, r, pl.ds(j, _LANES)]
                    xn = xv * _SCALE + _SHIFT
                    cl = jnp.clip(xn, 0.0, float(_N_REGIONS - 1))
                    f = cl.astype(jnp.int32)
                    av = plsc.load_gather(a_t, [f])
                    dv = plsc.load_gather(d_t, [f])
                    o_b[buf, r, pl.ds(j, _LANES)] = av + xn * dv

        for p in range(_NBUF):
            start_in(p, p).start()

        @pl.loop(0, n_chunks, step=_NBUF, init_carry=c0)
        def _(k, c):
            for b in range(_NBUF):
                kk = k + b
                start_in(kk, b).wait()
                @pl.when(kk >= _NBUF)
                def _():
                    start_out(kk - _NBUF, b).wait()

                compute(b, c)
                start_out(kk, b).start()

                @pl.when(kk + _NBUF < n_chunks)
                def _():
                    start_in(kk + _NBUF, b).start()

                bump = jax.lax.rem(kk, chunks_per_slab) == (chunks_per_slab - 1)
                c = jnp.where(bump, c + 1, c)
                c = jnp.where(c >= _N_CHANNELS, c - _N_CHANNELS, c)
            return c

        for t in range(_NBUF):
            b = (n_chunks - _NBUF + t) % _NBUF
            start_out(n_chunks - _NBUF + t, b).wait()

    return run(x2, a_flat, d_flat)


def kernel(x, points):
    b, c, h, w = x.shape
    d = points[:, 1:] - points[:, :-1]
    r = jnp.arange(_N_REGIONS, dtype=jnp.float32)
    a = points[:, :-1] - r[None, :] * d
    a_flat = a.reshape(-1)
    d_flat = d.reshape(-1)
    x2 = x.reshape(b * c * h, w)
    out = _sc_pwlu(x2, a_flat, d_flat)
    return out.reshape(x.shape)

# --- scband reference (transcript-rebuilt; emitter-appended) ---
"""Pipeline reference for scband-pwlu-41858751266831 (READ-ONLY COPY).

The authoritative reference and input builder live on the scoring server;
editing this copy changes nothing except your own understanding.
"""

import jax, jax.numpy as jnp
import numpy as np

N_CHANNELS = 96
N_REGIONS = 128
N_POINTS = N_REGIONS + 1
BOUND = 2.5

def setup_inputs(seed: int = 0) -> dict:
    key = jax.random.key(seed)
    k1, _ = jax.random.split(key)
    x = jax.random.normal(k1, (8, N_CHANNELS, 224, 224), dtype=jnp.float32)
    locs = jnp.linspace(-BOUND, BOUND, N_POINTS)
    locs = jnp.tile(locs[None, :], (N_CHANNELS, 1))
    points = jax.nn.relu(locs).astype(jnp.float32)
    return {"x": x, "points": points}

def reference(x, points):
    # diffs between adjacent points; n_points > 100 so diffs are detached in the original
    diffs = (points - jnp.roll(points, 1, axis=-1))[..., 1:]
    diffs = jax.lax.stop_gradient(diffs)
    region_length = (BOUND - (-BOUND)) / N_REGIONS  # scalar, non-learnable bound
    left_bound = -BOUND
    x_normal = (x - left_bound) / region_length
    regions = jnp.clip(x_normal, 0, N_REGIONS - 1).astype(jnp.int32)
    dists = x_normal - regions.astype(x.dtype)
    # channelwise packed indexing (torch.take on flattened tables)
    offsets = (jnp.arange(N_CHANNELS, dtype=jnp.int32) * N_REGIONS).reshape(1, -1, 1, 1)
    regions_packed = regions + offsets
    flat_idx = regions_packed.reshape(-1)
    left_points = jnp.take(points[..., :-1].reshape(-1), flat_idx).reshape(x.shape)
    diffs_g = jnp.take(diffs.reshape(-1), flat_idx).reshape(x.shape)
    return left_points + dists * diffs_g

if __name__ == "__main__":
    import jax
    _d = setup_inputs()
    print(jax.jit(kernel)(*tuple(_d.values())))

</pallas_src>

<mosaic_0001>
#map = affine_map<(d0, d1) -> (0, 0)>
#map1 = affine_map<(d0, d1) -> (0)>
module attributes {stable_mosaic.version = 14 : i64} {
  func.func @run(%arg0: i32, %arg1: i32, %arg2: memref<172032x224xf32, #tpu.memory_space<hbm>>, %arg3: memref<12288xf32, #tpu.memory_space<hbm>>, %arg4: memref<12288xf32, #tpu.memory_space<hbm>>, %arg5: memref<172032x224xf32, #tpu.memory_space<hbm>>, %arg6: memref<12288xf32, #tpu.memory_space<vmem>>, %arg7: memref<12288xf32, #tpu.memory_space<vmem>>, %arg8: memref<3x56x224xf32, #tpu.memory_space<vmem>>, %arg9: memref<3x56x224xf32, #tpu.memory_space<vmem>>, %arg10: memref<!tpu.dma_semaphore, #tpu.memory_space<semaphore_mem>>, %arg11: memref<!tpu.dma_semaphore, #tpu.memory_space<semaphore_mem>>, %arg12: memref<!tpu.dma_semaphore, #tpu.memory_space<semaphore_mem>>) attributes {dimension_semantics = [#tpu.dimension_semantics<core_parallel>, #tpu.dimension_semantics<subcore_parallel>], iteration_bounds = array<i64: 2, 16>, scalar_prefetch = 0 : i64, scratch_operands = 7 : i64, tpu.core_type = #tpu.core_type<sc_vector_subcore>, window_params = [{transform_indices = #map}, {transform_indices = #map1}, {transform_indices = #map1}, {transform_indices = #map}]} {
    tpu.enqueue_dma source(%arg3 : memref<12288xf32, #tpu.memory_space<hbm>>) target(%arg6 : memref<12288xf32, #tpu.memory_space<vmem>>) target_semaphore(%arg10 : memref<!tpu.dma_semaphore, #tpu.memory_space<semaphore_mem>>)
    tpu.wait_dma2 semaphore(%arg10 : memref<!tpu.dma_semaphore, #tpu.memory_space<semaphore_mem>>) src(%arg3 : memref<12288xf32, #tpu.memory_space<hbm>>) dst(%arg6 : memref<12288xf32, #tpu.memory_space<vmem>>)
    tpu.enqueue_dma source(%arg4 : memref<12288xf32, #tpu.memory_space<hbm>>) target(%arg7 : memref<12288xf32, #tpu.memory_space<vmem>>) target_semaphore(%arg10 : memref<!tpu.dma_semaphore, #tpu.memory_space<semaphore_mem>>)
    tpu.wait_dma2 semaphore(%arg10 : memref<!tpu.dma_semaphore, #tpu.memory_space<semaphore_mem>>) src(%arg4 : memref<12288xf32, #tpu.memory_space<hbm>>) dst(%arg7 : memref<12288xf32, #tpu.memory_space<vmem>>)
    %mul3A = arith.constant 2 : i32
    %mul3A_0 = arith.muli %arg1, %mul3A : i32
    %add3A = arith.addi %mul3A_0, %arg0 : i32
    %mul3A_1 = arith.constant 5376 : i32
    %mul3A_2 = arith.muli %add3A, %mul3A_1 : i32
    %mul3A_3 = arith.constant 24 : i32
    %mul3A_4 = arith.muli %add3A, %mul3A_3 : i32
    %rem3A = arith.constant 96 : i32
    %rem3A_5 = arith.remsi %mul3A_4, %rem3A : i32
    %add3A_6 = arith.constant 0 : i32
    %add3A_7 = arith.addi %mul3A_2, %add3A_6 : i32
    %dma_start3A = arith.constant 0 : i32
    %dma_start3A_8 = arith.constant 0 : i32
    %dma_start3A_9 = arith.constant 0 : i32
    %dma_start3A_10 = tpu.memref_slice %arg8[%dma_start3A, %dma_start3A_8, %dma_start3A_9] : memref<3x56x224xf32, #tpu.memory_space<vmem>> -> memref<1x56x224xf32, #tpu.memory_space<vmem>>
    %dma_start3A_11 = tpu.memref_squeeze %dma_start3A_10 : memref<1x56x224xf32, #tpu.memory_space<vmem>> -> memref<56x224xf32, #tpu.memory_space<vmem>>
    %dma_start3A_12 = arith.constant 0 : i32
    %dma_start3A_13 = tpu.memref_slice %arg2[%add3A_7, %dma_start3A_12] : memref<172032x224xf32, #tpu.memory_space<hbm>> -> memref<56x224xf32, #tpu.memory_space<hbm>>
    %dma_start3A_14 = arith.constant 0 : i32
    %dma_start3A_15 = arith.constant 0 : i32
    %dma_start3A_16 = tpu.memref_slice %arg8[%dma_start3A, %dma_start3A_14, %dma_start3A_15] : memref<3x56x224xf32, #tpu.memory_space<vmem>> -> memref<1x56x224xf32, #tpu.memory_space<vmem>>
    %dma_start3A_17 = tpu.memref_squeeze %dma_start3A_16 : memref<1x56x224xf32, #tpu.memory_space<vmem>> -> memref<56x224xf32, #tpu.memory_space<vmem>>
    %dma_start3A_18 = arith.constant 0 : i32
    %dma_start3A_19 = tpu.memref_slice %arg2[%add3A_7, %dma_start3A_18] : memref<172032x224xf32, #tpu.memory_space<hbm>> -> memref<56x224xf32, #tpu.memory_space<hbm>>
    tpu.enqueue_dma source(%dma_start3A_19 : memref<56x224xf32, #tpu.memory_space<hbm>>) target(%dma_start3A_17 : memref<56x224xf32, #tpu.memory_space<vmem>>) target_semaphore(%arg11 : memref<!tpu.dma_semaphore, #tpu.memory_space<semaphore_mem>>)
    %add3A_20 = arith.constant 56 : i32
    %add3A_21 = arith.addi %mul3A_2, %add3A_20 : i32
    %dma_start3A_22 = arith.constant 1 : i32
    %dma_start3A_23 = arith.constant 0 : i32
    %dma_start3A_24 = arith.constant 0 : i32
    %dma_start3A_25 = tpu.memref_slice %arg8[%dma_start3A_22, %dma_start3A_23, %dma_start3A_24] : memref<3x56x224xf32, #tpu.memory_space<vmem>> -> memref<1x56x224xf32, #tpu.memory_space<vmem>>
    %dma_start3A_26 = tpu.memref_squeeze %dma_start3A_25 : memref<1x56x224xf32, #tpu.memory_space<vmem>> -> memref<56x224xf32, #tpu.memory_space<vmem>>
    %dma_start3A_27 = arith.constant 0 : i32
    %dma_start3A_28 = tpu.memref_slice %arg2[%add3A_21, %dma_start3A_27] : memref<172032x224xf32, #tpu.memory_space<hbm>> -> memref<56x224xf32, #tpu.memory_space<hbm>>
    %dma_start3A_29 = arith.constant 0 : i32
    %dma_start3A_30 = arith.constant 0 : i32
    %dma_start3A_31 = tpu.memref_slice %arg8[%dma_start3A_22, %dma_start3A_29, %dma_start3A_30] : memref<3x56x224xf32, #tpu.memory_space<vmem>> -> memref<1x56x224xf32, #tpu.memory_space<vmem>>
    %dma_start3A_32 = tpu.memref_squeeze %dma_start3A_31 : memref<1x56x224xf32, #tpu.memory_space<vmem>> -> memref<56x224xf32, #tpu.memory_space<vmem>>
    %dma_start3A_33 = arith.constant 0 : i32
    %dma_start3A_34 = tpu.memref_slice %arg2[%add3A_21, %dma_start3A_33] : memref<172032x224xf32, #tpu.memory_space<hbm>> -> memref<56x224xf32, #tpu.memory_space<hbm>>
    tpu.enqueue_dma source(%dma_start3A_34 : memref<56x224xf32, #tpu.memory_space<hbm>>) target(%dma_start3A_32 : memref<56x224xf32, #tpu.memory_space<vmem>>) target_semaphore(%arg11 : memref<!tpu.dma_semaphore, #tpu.memory_space<semaphore_mem>>)
    %add3A_35 = arith.constant 112 : i32
    %add3A_36 = arith.addi %mul3A_2, %add3A_35 : i32
    %dma_start3A_37 = arith.constant 2 : i32
    %dma_start3A_38 = arith.constant 0 : i32
    %dma_start3A_39 = arith.constant 0 : i32
    %dma_start3A_40 = tpu.memref_slice %arg8[%dma_start3A_37, %dma_start3A_38, %dma_start3A_39] : memref<3x56x224xf32, #tpu.memory_space<vmem>> -> memref<1x56x224xf32, #tpu.memory_space<vmem>>
    %dma_start3A_41 = tpu.memref_squeeze %dma_start3A_40 : memref<1x56x224xf32, #tpu.memory_space<vmem>> -> memref<56x224xf32, #tpu.memory_space<vmem>>
    %dma_start3A_42 = arith.constant 0 : i32
    %dma_start3A_43 = tpu.memref_slice %arg2[%add3A_36, %dma_start3A_42] : memref<172032x224xf32, #tpu.memory_space<hbm>> -> memref<56x224xf32, #tpu.memory_space<hbm>>
    %dma_start3A_44 = arith.constant 0 : i32
    %dma_start3A_45 = arith.constant 0 : i32
    %dma_start3A_46 = tpu.memref_slice %arg8[%dma_start3A_37, %dma_start3A_44, %dma_start3A_45] : memref<3x56x224xf32, #tpu.memory_space<vmem>> -> memref<1x56x224xf32, #tpu.memory_space<vmem>>
    %dma_start3A_47 = tpu.memref_squeeze %dma_start3A_46 : memref<1x56x224xf32, #tpu.memory_space<vmem>> -> memref<56x224xf32, #tpu.memory_space<vmem>>
    %dma_start3A_48 = arith.constant 0 : i32
    %dma_start3A_49 = tpu.memref_slice %arg2[%add3A_36, %dma_start3A_48] : memref<172032x224xf32, #tpu.memory_space<hbm>> -> memref<56x224xf32, #tpu.memory_space<hbm>>
    tpu.enqueue_dma source(%dma_start3A_49 : memref<56x224xf32, #tpu.memory_space<hbm>>) target(%dma_start3A_47 : memref<56x224xf32, #tpu.memory_space<vmem>>) target_semaphore(%arg11 : memref<!tpu.dma_semaphore, #tpu.memory_space<semaphore_mem>>)
    %scan3A = arith.constant 0 : i32
    %scan3A_50 = arith.constant 32 : i32
    %scan3A_51 = arith.addi %scan3A, %scan3A_50 : i32
    %scan3A_52 = arith.constant 1 : i32
    %scan3A_53 = scf.for %scan3A_99 = %scan3A to %scan3A_51 step %scan3A_52 iter_args(%scan3A_100 = %rem3A_5) -> (i32)  : i32 {
      %mul3A_101 = arith.constant 3 : i32
      %mul3A_102 = arith.muli %scan3A_99, %mul3A_101 : i32
      %add3A_103 = arith.constant 0 : i32
      %add3A_104 = arith.addi %add3A_103, %mul3A_102 : i32
      %add3A_105 = arith.constant 0 : i32
      %add3A_106 = arith.addi %add3A_104, %add3A_105 : i32
      %mul3A_107 = arith.constant 56 : i32
      %mul3A_108 = arith.muli %add3A_106, %mul3A_107 : i32
      %add3A_109 = arith.addi %mul3A_2, %mul3A_108 : i32
      %dma_wait3A_110 = arith.constant 0 : i32
      %dma_wait3A_111 = arith.constant 0 : i32
      %dma_wait3A_112 = arith.constant 0 : i32
      %dma_wait3A_113 = tpu.memref_slice %arg8[%dma_wait3A_110, %dma_wait3A_111, %dma_wait3A_112] : memref<3x56x224xf32, #tpu.memory_space<vmem>> -> memref<1x56x224xf32, #tpu.memory_space<vmem>>
      %dma_wait3A_114 = tpu.memref_squeeze %dma_wait3A_113 : memref<1x56x224xf32, #tpu.memory_space<vmem>> -> memref<56x224xf32, #tpu.memory_space<vmem>>
      %dma_wait3A_115 = arith.constant 0 : i32
      %dma_wait3A_116 = tpu.memref_slice %arg2[%add3A_109, %dma_wait3A_115] : memref<172032x224xf32, #tpu.memory_space<hbm>> -> memref<56x224xf32, #tpu.memory_space<hbm>>
      %dma_wait3A_117 = arith.constant 0 : i32
      %dma_wait3A_118 = arith.constant 0 : i32
      %dma_wait3A_119 = tpu.memref_slice %arg8[%dma_wait3A_110, %dma_wait3A_117, %dma_wait3A_118] : memref<3x56x224xf32, #tpu.memory_space<vmem>> -> memref<1x56x224xf32, #tpu.memory_space<vmem>>
      %dma_wait3A_120 = tpu.memref_squeeze %dma_wait3A_119 : memref<1x56x224xf32, #tpu.memory_space<vmem>> -> memref<56x224xf32, #tpu.memory_space<vmem>>
      %dma_wait3A_121 = arith.constant 0 : i32
      %dma_wait3A_122 = tpu.memref_slice %arg2[%add3A_109, %dma_wait3A_121] : memref<172032x224xf32, #tpu.memory_space<hbm>> -> memref<56x224xf32, #tpu.memory_space<hbm>>
      tpu.wait_dma2 semaphore(%arg11 : memref<!tpu.dma_semaphore, #tpu.memory_space<semaphore_mem>>) src(%dma_wait3A_122 : memref<56x224xf32, #tpu.memory_space<hbm>>) dst(%dma_wait3A_120 : memref<56x224xf32, #tpu.memory_space<vmem>>)
      %ge3A = arith.constant 3 : i32
      %ge3A_123 = arith.cmpi sge, %add3A_106, %ge3A : i32
      %convert_element_type3A = arith.extui %ge3A_123 : i1 to i32
      %cond3A = arith.constant 0 : i32
      %cond3A_124 = arith.cmpi ne, %convert_element_type3A, %cond3A : i32
      scf.if %cond3A_124 {
        %sub3A_286 = arith.constant 3 : i32
        %sub3A_287 = arith.subi %add3A_106, %sub3A_286 : i32
        %mul3A_288 = arith.constant 56 : i32
        %mul3A_289 = arith.muli %sub3A_287, %mul3A_288 : i32
        %add3A_290 = arith.addi %mul3A_2, %mul3A_289 : i32
        %dma_wait3A_291 = arith.constant 0 : i32
        %dma_wait3A_292 = arith.constant 0 : i32
        %dma_wait3A_293 = arith.constant 0 : i32
        %dma_wait3A_294 = tpu.memref_slice %arg9[%dma_wait3A_291, %dma_wait3A_292, %dma_wait3A_293] : memref<3x56x224xf32, #tpu.memory_space<vmem>> -> memref<1x56x224xf32, #tpu.memory_space<vmem>>
        %dma_wait3A_295 = tpu.memref_squeeze %dma_wait3A_294 : memref<1x56x224xf32, #tpu.memory_space<vmem>> -> memref<56x224xf32, #tpu.memory_space<vmem>>
        %dma_wait3A_296 = arith.constant 0 : i32
        %dma_wait3A_297 = tpu.memref_slice %arg5[%add3A_290, %dma_wait3A_296] : memref<172032x224xf32, #tpu.memory_space<hbm>> -> memref<56x224xf32, #tpu.memory_space<hbm>>
        %dma_wait3A_298 = arith.constant 0 : i32
        %dma_wait3A_299 = tpu.memref_slice %arg5[%add3A_290, %dma_wait3A_298] : memref<172032x224xf32, #tpu.memory_space<hbm>> -> memref<56x224xf32, #tpu.memory_space<hbm>>
        %dma_wait3A_300 = arith.constant 0 : i32
        %dma_wait3A_301 = arith.constant 0 : i32
        %dma_wait3A_302 = tpu.memref_slice %arg9[%dma_wait3A_291, %dma_wait3A_300, %dma_wait3A_301] : memref<3x56x224xf32, #tpu.memory_space<vmem>> -> memref<1x56x224xf32, #tpu.memory_space<vmem>>
        %dma_wait3A_303 = tpu.memref_squeeze %dma_wait3A_302 : memref<1x56x224xf32, #tpu.memory_space<vmem>> -> memref<56x224xf32, #tpu.memory_space<vmem>>
        tpu.wait_dma2 semaphore(%arg12 : memref<!tpu.dma_semaphore, #tpu.memory_space<semaphore_mem>>) src(%dma_wait3A_303 : memref<56x224xf32, #tpu.memory_space<vmem>>) dst(%dma_wait3A_299 : memref<56x224xf32, #tpu.memory_space<hbm>>)
      } else {
      }
      %mul3A_125 = arith.constant 128 : i32
      %mul3A_126 = arith.muli %scan3A_100, %mul3A_125 : i32
      %parallel_loop3A = arith.constant 0 : i32
      %parallel_loop3A_127 = arith.constant 56 : i32
      %parallel_loop3A_128 = arith.constant 1 : i32
      scf.for %parallel_loop3A_286 = %parallel_loop3A to %parallel_loop3A_127 step %parallel_loop3A_128  : i32 {
        %parallel_loop3A_287 = arith.constant 0 : i32
        %parallel_loop3A_288 = arith.constant 224 : i32
        %parallel_loop3A_289 = arith.constant 16 : i32
        scf.for %parallel_loop3A_290 = %parallel_loop3A_287 to %parallel_loop3A_288 step %parallel_loop3A_289  : i32 {
          %parallel_loop3A_291 = arith.constant 0 : i32
          %parallel_loop3A_292 = arith.index_cast %parallel_loop3A_291 : i32 to index
          %parallel_loop3A_293 = arith.index_cast %parallel_loop3A_286 : i32 to index
          %parallel_loop3A_294 = arith.index_cast %parallel_loop3A_290 : i32 to index
          %parallel_loop3A_295 = tpu.vector_load %arg8[%parallel_loop3A_292, %parallel_loop3A_293, %parallel_loop3A_294] {strides = array<i32>} : memref<3x56x224xf32, #tpu.memory_space<vmem>>, vector<16xf32>,
          %parallel_loop3A_296 = arith.constant 2.560000e+01 : f32
          %parallel_loop3A_297 = vector.broadcast %parallel_loop3A_296 : f32 to vector<16xf32>
          %parallel_loop3A_298 = arith.mulf %parallel_loop3A_295, %parallel_loop3A_297 : vector<16xf32>
          %parallel_loop3A_299 = arith.constant 6.400000e+01 : f32
          %parallel_loop3A_300 = vector.broadcast %parallel_loop3A_299 : f32 to vector<16xf32>
          %parallel_loop3A_301 = arith.addf %parallel_loop3A_298, %parallel_loop3A_300 : vector<16xf32>
          %parallel_loop3A_302 = arith.constant 0.000000e+00 : f32
          %parallel_loop3A_303 = arith.constant 1.270000e+02 : f32
          %parallel_loop3A_304 = vector.broadcast %parallel_loop3A_302 : f32 to vector<16xf32>
          %parallel_loop3A_305 = arith.maximumf %parallel_loop3A_304, %parallel_loop3A_301 : vector<16xf32>
          %parallel_loop3A_306 = vector.broadcast %parallel_loop3A_303 : f32 to vector<16xf32>
          %parallel_loop3A_307 = arith.minimumf %parallel_loop3A_306, %parallel_loop3A_305 : vector<16xf32>
          %parallel_loop3A_308 = arith.fptosi %parallel_loop3A_307 : vector<16xf32> to vector<16xi32>
          %parallel_loop3A_309 = tpu.memref_slice %arg6[%mul3A_126] : memref<12288xf32, #tpu.memory_space<vmem>> -> memref<128xf32, #tpu.memory_space<vmem>>
          %parallel_loop3A_310 = tpu.vector_load_idx %parallel_loop3A_309[%parallel_loop3A_308] : memref<128xf32, #tpu.memory_space<vmem>>[vector<16xi32>], vector<16xf32>,
          %parallel_loop3A_311 = tpu.memref_slice %arg7[%mul3A_126] : memref<12288xf32, #tpu.memory_space<vmem>> -> memref<128xf32, #tpu.memory_space<vmem>>
          %parallel_loop3A_312 = tpu.vector_load_idx %parallel_loop3A_311[%parallel_loop3A_308] : memref<128xf32, #tpu.memory_space<vmem>>[vector<16xi32>], vector<16xf32>,
          %parallel_loop3A_313 = arith.mulf %parallel_loop3A_301, %parallel_loop3A_312 : vector<16xf32>
          %parallel_loop3A_314 = arith.addf %parallel_loop3A_310, %parallel_loop3A_313 : vector<16xf32>
          %parallel_loop3A_315 = arith.constant 0 : i32
          %parallel_loop3A_316 = arith.index_cast %parallel_loop3A_315 : i32 to index
          %parallel_loop3A_317 = arith.index_cast %parallel_loop3A_286 : i32 to index
          %parallel_loop3A_318 = arith.index_cast %parallel_loop3A_290 : i32 to index
          %parallel_loop3A_319 = tpu.vector_load %arg9[%parallel_loop3A_316, %parallel_loop3A_317, %parallel_loop3A_318] {strides = array<i32>} : memref<3x56x224xf32, #tpu.memory_space<vmem>>, vector<16xf32>,
          tpu.vector_store %arg9[%parallel_loop3A_316, %parallel_loop3A_317, %parallel_loop3A_318], %parallel_loop3A_314 {strides = array<i32>} : memref<3x56x224xf32, #tpu.memory_space<vmem>>, vector<16xf32>,
        } {sc.loop_unroll_factor = 14 : i64, sc.parallel_access}
      } {sc.loop_unroll_factor = 1 : i64, sc.parallel_access}
      %mul3A_129 = arith.constant 56 : i32
      %mul3A_130 = arith.muli %add3A_106, %mul3A_129 : i32
      %add3A_131 = arith.addi %mul3A_2, %mul3A_130 : i32
      %dma_start3A_132 = arith.constant 0 : i32
      %dma_start3A_133 = arith.constant 0 : i32
      %dma_start3A_134 = arith.constant 0 : i32
      %dma_start3A_135 = tpu.memref_slice %arg9[%dma_start3A_132, %dma_start3A_133, %dma_start3A_134] : memref<3x56x224xf32, #tpu.memory_space<vmem>> -> memref<1x56x224xf32, #tpu.memory_space<vmem>>
      %dma_start3A_136 = tpu.memref_squeeze %dma_start3A_135 : memref<1x56x224xf32, #tpu.memory_space<vmem>> -> memref<56x224xf32, #tpu.memory_space<vmem>>
      %dma_start3A_137 = arith.constant 0 : i32
      %dma_start3A_138 = tpu.memref_slice %arg5[%add3A_131, %dma_start3A_137] : memref<172032x224xf32, #tpu.memory_space<hbm>> -> memref<56x224xf32, #tpu.memory_space<hbm>>
      %dma_start3A_139 = arith.constant 0 : i32
      %dma_start3A_140 = tpu.memref_slice %arg5[%add3A_131, %dma_start3A_139] : memref<172032x224xf32, #tpu.memory_space<hbm>> -> memref<56x224xf32, #tpu.memory_space<hbm>>
      %dma_start3A_141 = arith.constant 0 : i32
      %dma_start3A_142 = arith.constant 0 : i32
      %dma_start3A_143 = tpu.memref_slice %arg9[%dma_start3A_132, %dma_start3A_141, %dma_start3A_142] : memref<3x56x224xf32, #tpu.memory_space<vmem>> -> memref<1x56x224xf32, #tpu.memory_space<vmem>>
      %dma_start3A_144 = tpu.memref_squeeze %dma_start3A_143 : memref<1x56x224xf32, #tpu.memory_space<vmem>> -> memref<56x224xf32, #tpu.memory_space<vmem>>
      tpu.enqueue_dma source(%dma_start3A_144 : memref<56x224xf32, #tpu.memory_space<vmem>>) target(%dma_start3A_140 : memref<56x224xf32, #tpu.memory_space<hbm>>) target_semaphore(%arg12 : memref<!tpu.dma_semaphore, #tpu.memory_space<semaphore_mem>>)
      %add3A_145 = arith.constant 3 : i32
      %add3A_146 = arith.addi %add3A_106, %add3A_145 : i32
      %lt3A = arith.constant 96 : i32
      %lt3A_147 = arith.cmpi slt, %add3A_146, %lt3A : i32
      %convert_element_type3A_148 = arith.extui %lt3A_147 : i1 to i32
      %cond3A_149 = arith.constant 0 : i32
      %cond3A_150 = arith.cmpi ne, %convert_element_type3A_148, %cond3A_149 : i32
      scf.if %cond3A_150 {
        %add3A_286 = arith.constant 3 : i32
        %add3A_287 = arith.addi %add3A_106, %add3A_286 : i32
        %mul3A_288 = arith.constant 56 : i32
        %mul3A_289 = arith.muli %add3A_287, %mul3A_288 : i32
        %add3A_290 = arith.addi %mul3A_2, %mul3A_289 : i32
        %dma_start3A_291 = arith.constant 0 : i32
        %dma_start3A_292 = arith.constant 0 : i32
        %dma_start3A_293 = arith.constant 0 : i32
        %dma_start3A_294 = tpu.memref_slice %arg8[%dma_start3A_291, %dma_start3A_292, %dma_start3A_293] : memref<3x56x224xf32, #tpu.memory_space<vmem>> -> memref<1x56x224xf32, #tpu.memory_space<vmem>>
        %dma_start3A_295 = tpu.memref_squeeze %dma_start3A_294 : memref<1x56x224xf32, #tpu.memory_space<vmem>> -> memref<56x224xf32, #tpu.memory_space<vmem>>
        %dma_start3A_296 = arith.constant 0 : i32
        %dma_start3A_297 = tpu.memref_slice %arg2[%add3A_290, %dma_start3A_296] : memref<172032x224xf32, #tpu.memory_space<hbm>> -> memref<56x224xf32, #tpu.memory_space<hbm>>
        %dma_start3A_298 = arith.constant 0 : i32
        %dma_start3A_299 = arith.constant 0 : i32
        %dma_start3A_300 = tpu.memref_slice %arg8[%dma_start3A_291, %dma_start3A_298, %dma_start3A_299] : memref<3x56x224xf32, #tpu.memory_space<vmem>> -> memref<1x56x224xf32, #tpu.memory_space<vmem>>
        %dma_start3A_301 = tpu.memref_squeeze %dma_start3A_300 : memref<1x56x224xf32, #tpu.memory_space<vmem>> -> memref<56x224xf32, #tpu.memory_space<vmem>>
        %dma_start3A_302 = arith.constant 0 : i32
        %dma_start3A_303 = tpu.memref_slice %arg2[%add3A_290, %dma_start3A_302] : memref<172032x224xf32, #tpu.memory_space<hbm>> -> memref<56x224xf32, #tpu.memory_space<hbm>>
        tpu.enqueue_dma source(%dma_start3A_303 : memref<56x224xf32, #tpu.memory_space<hbm>>) target(%dma_start3A_301 : memref<56x224xf32, #tpu.memory_space<vmem>>) target_semaphore(%arg11 : memref<!tpu.dma_semaphore, #tpu.memory_space<semaphore_mem>>)
      } else {
      }
      %rem3A_151 = arith.constant 4 : i32
      %rem3A_152 = arith.remsi %add3A_106, %rem3A_151 : i32
      %eq3A = arith.constant 3 : i32
      %eq3A_153 = arith.cmpi eq, %rem3A_152, %eq3A : i32
      %add3A_154 = arith.constant 1 : i32
      %add3A_155 = arith.addi %scan3A_100, %add3A_154 : i32
      %select_n3A = arith.select %eq3A_153, %add3A_155, %scan3A_100 : i32
      %ge3A_156 = arith.constant 96 : i32
      %ge3A_157 = arith.cmpi sge, %select_n3A, %ge3A_156 : i32
      %sub3A = arith.constant 96 : i32
      %sub3A_158 = arith.subi %select_n3A, %sub3A : i32
      %select_n3A_159 = arith.select %ge3A_157, %sub3A_158, %select_n3A : i32
      %add3A_160 = arith.constant 1 : i32
      %add3A_161 = arith.addi %add3A_104, %add3A_160 : i32
      %mul3A_162 = arith.constant 56 : i32
      %mul3A_163 = arith.muli %add3A_161, %mul3A_162 : i32
      %add3A_164 = arith.addi %mul3A_2, %mul3A_163 : i32
      %dma_wait3A_165 = arith.constant 1 : i32
      %dma_wait3A_166 = arith.constant 0 : i32
      %dma_wait3A_167 = arith.constant 0 : i32
      %dma_wait3A_168 = tpu.memref_slice %arg8[%dma_wait3A_165, %dma_wait3A_166, %dma_wait3A_167] : memref<3x56x224xf32, #tpu.memory_space<vmem>> -> memref<1x56x224xf32, #tpu.memory_space<vmem>>
      %dma_wait3A_169 = tpu.memref_squeeze %dma_wait3A_168 : memref<1x56x224xf32, #tpu.memory_space<vmem>> -> memref<56x224xf32, #tpu.memory_space<vmem>>
      %dma_wait3A_170 = arith.constant 0 : i32
      %dma_wait3A_171 = tpu.memref_slice %arg2[%add3A_164, %dma_wait3A_170] : memref<172032x224xf32, #tpu.memory_space<hbm>> -> memref<56x224xf32, #tpu.memory_space<hbm>>
      %dma_wait3A_172 = arith.constant 0 : i32
      %dma_wait3A_173 = arith.constant 0 : i32
      %dma_wait3A_174 = tpu.memref_slice %arg8[%dma_wait3A_165, %dma_wait3A_172, %dma_wait3A_173] : memref<3x56x224xf32, #tpu.memory_space<vmem>> -> memref<1x56x224xf32, #tpu.memory_space<vmem>>
      %dma_wait3A_175 = tpu.memref_squeeze %dma_wait3A_174 : memref<1x56x224xf32, #tpu.memory_space<vmem>> -> memref<56x224xf32, #tpu.memory_space<vmem>>
      %dma_wait3A_176 = arith.constant 0 : i32
      %dma_wait3A_177 = tpu.memref_slice %arg2[%add3A_164, %dma_wait3A_176] : memref<172032x224xf32, #tpu.memory_space<hbm>> -> memref<56x224xf32, #tpu.memory_space<hbm>>
      tpu.wait_dma2 semaphore(%arg11 : memref<!tpu.dma_semaphore, #tpu.memory_space<semaphore_mem>>) src(%dma_wait3A_177 : memref<56x224xf32, #tpu.memory_space<hbm>>) dst(%dma_wait3A_175 : memref<56x224xf32, #tpu.memory_space<vmem>>)
      %ge3A_178 = arith.constant 3 : i32
      %ge3A_179 = arith.cmpi sge, %add3A_161, %ge3A_178 : i32
      %convert_element_type3A_180 = arith.extui %ge3A_179 : i1 to i32
      %cond3A_181 = arith.constant 0 : i32
      %cond3A_182 = arith.cmpi ne, %convert_element_type3A_180, %cond3A_181 : i32
      scf.if %cond3A_182 {
        %sub3A_286 = arith.constant 3 : i32
        %sub3A_287 = arith.subi %add3A_161, %sub3A_286 : i32
        %mul3A_288 = arith.constant 56 : i32
        %mul3A_289 = arith.muli %sub3A_287, %mul3A_288 : i32
        %add3A_290 = arith.addi %mul3A_2, %mul3A_289 : i32
        %dma_wait3A_291 = arith.constant 1 : i32
        %dma_wait3A_292 = arith.constant 0 : i32
        %dma_wait3A_293 = arith.constant 0 : i32
        %dma_wait3A_294 = tpu.memref_slice %arg9[%dma_wait3A_291, %dma_wait3A_292, %dma_wait3A_293] : memref<3x56x224xf32, #tpu.memory_space<vmem>> -> memref<1x56x224xf32, #tpu.memory_space<vmem>>
        %dma_wait3A_295 = tpu.memref_squeeze %dma_wait3A_294 : memref<1x56x224xf32, #tpu.memory_space<vmem>> -> memref<56x224xf32, #tpu.memory_space<vmem>>
        %dma_wait3A_296 = arith.constant 0 : i32
        %dma_wait3A_297 = tpu.memref_slice %arg5[%add3A_290, %dma_wait3A_296] : memref<172032x224xf32, #tpu.memory_space<hbm>> -> memref<56x224xf32, #tpu.memory_space<hbm>>
        %dma_wait3A_298 = arith.constant 0 : i32
        %dma_wait3A_299 = tpu.memref_slice %arg5[%add3A_290, %dma_wait3A_298] : memref<172032x224xf32, #tpu.memory_space<hbm>> -> memref<56x224xf32, #tpu.memory_space<hbm>>
        %dma_wait3A_300 = arith.constant 0 : i32
        %dma_wait3A_301 = arith.constant 0 : i32
        %dma_wait3A_302 = tpu.memref_slice %arg9[%dma_wait3A_291, %dma_wait3A_300, %dma_wait3A_301] : memref<3x56x224xf32, #tpu.memory_space<vmem>> -> memref<1x56x224xf32, #tpu.memory_space<vmem>>
        %dma_wait3A_303 = tpu.memref_squeeze %dma_wait3A_302 : memref<1x56x224xf32, #tpu.memory_space<vmem>> -> memref<56x224xf32, #tpu.memory_space<vmem>>
        tpu.wait_dma2 semaphore(%arg12 : memref<!tpu.dma_semaphore, #tpu.memory_space<semaphore_mem>>) src(%dma_wait3A_303 : memref<56x224xf32, #tpu.memory_space<vmem>>) dst(%dma_wait3A_299 : memref<56x224xf32, #tpu.memory_space<hbm>>)
      } else {
      }
      %mul3A_183 = arith.constant 128 : i32
      %mul3A_184 = arith.muli %select_n3A_159, %mul3A_183 : i32
      %parallel_loop3A_185 = arith.constant 0 : i32
      %parallel_loop3A_186 = arith.constant 56 : i32
      %parallel_loop3A_187 = arith.constant 1 : i32
      scf.for %parallel_loop3A_286 = %parallel_loop3A_185 to %parallel_loop3A_186 step %parallel_loop3A_187  : i32 {
        %parallel_loop3A_287 = arith.constant 0 : i32
        %parallel_loop3A_288 = arith.constant 224 : i32
        %parallel_loop3A_289 = arith.constant 16 : i32
        scf.for %parallel_loop3A_290 = %parallel_loop3A_287 to %parallel_loop3A_288 step %parallel_loop3A_289  : i32 {
          %parallel_loop3A_291 = arith.constant 1 : i32
          %parallel_loop3A_292 = arith.index_cast %parallel_loop3A_291 : i32 to index
          %parallel_loop3A_293 = arith.index_cast %parallel_loop3A_286 : i32 to index
          %parallel_loop3A_294 = arith.index_cast %parallel_loop3A_290 : i32 to index
          %parallel_loop3A_295 = tpu.vector_load %arg8[%parallel_loop3A_292, %parallel_loop3A_293, %parallel_loop3A_294] {strides = array<i32>} : memref<3x56x224xf32, #tpu.memory_space<vmem>>, vector<16xf32>,
          %parallel_loop3A_296 = arith.constant 2.560000e+01 : f32
          %parallel_loop3A_297 = vector.broadcast %parallel_loop3A_296 : f32 to vector<16xf32>
          %parallel_loop3A_298 = arith.mulf %parallel_loop3A_295, %parallel_loop3A_297 : vector<16xf32>
          %parallel_loop3A_299 = arith.constant 6.400000e+01 : f32
          %parallel_loop3A_300 = vector.broadcast %parallel_loop3A_299 : f32 to vector<16xf32>
          %parallel_loop3A_301 = arith.addf %parallel_loop3A_298, %parallel_loop3A_300 : vector<16xf32>
          %parallel_loop3A_302 = arith.constant 0.000000e+00 : f32
          %parallel_loop3A_303 = arith.constant 1.270000e+02 : f32
          %parallel_loop3A_304 = vector.broadcast %parallel_loop3A_302 : f32 to vector<16xf32>
          %parallel_loop3A_305 = arith.maximumf %parallel_loop3A_304, %parallel_loop3A_301 : vector<16xf32>
          %parallel_loop3A_306 = vector.broadcast %parallel_loop3A_303 : f32 to vector<16xf32>
          %parallel_loop3A_307 = arith.minimumf %parallel_loop3A_306, %parallel_loop3A_305 : vector<16xf32>
          %parallel_loop3A_308 = arith.fptosi %parallel_loop3A_307 : vector<16xf32> to vector<16xi32>
          %parallel_loop3A_309 = tpu.memref_slice %arg6[%mul3A_184] : memref<12288xf32, #tpu.memory_space<vmem>> -> memref<128xf32, #tpu.memory_space<vmem>>
          %parallel_loop3A_310 = tpu.vector_load_idx %parallel_loop3A_309[%parallel_loop3A_308] : memref<128xf32, #tpu.memory_space<vmem>>[vector<16xi32>], vector<16xf32>,
          %parallel_loop3A_311 = tpu.memref_slice %arg7[%mul3A_184] : memref<12288xf32, #tpu.memory_space<vmem>> -> memref<128xf32, #tpu.memory_space<vmem>>
          %parallel_loop3A_312 = tpu.vector_load_idx %parallel_loop3A_311[%parallel_loop3A_308] : memref<128xf32, #tpu.memory_space<vmem>>[vector<16xi32>], vector<16xf32>,
          %parallel_loop3A_313 = arith.mulf %parallel_loop3A_301, %parallel_loop3A_312 : vector<16xf32>
          %parallel_loop3A_314 = arith.addf %parallel_loop3A_310, %parallel_loop3A_313 : vector<16xf32>
          %parallel_loop3A_315 = arith.constant 1 : i32
          %parallel_loop3A_316 = arith.index_cast %parallel_loop3A_315 : i32 to index
          %parallel_loop3A_317 = arith.index_cast %parallel_loop3A_286 : i32 to index
          %parallel_loop3A_318 = arith.index_cast %parallel_loop3A_290 : i32 to index
          %parallel_loop3A_319 = tpu.vector_load %arg9[%parallel_loop3A_316, %parallel_loop3A_317, %parallel_loop3A_318] {strides = array<i32>} : memref<3x56x224xf32, #tpu.memory_space<vmem>>, vector<16xf32>,
          tpu.vector_store %arg9[%parallel_loop3A_316, %parallel_loop3A_317, %parallel_loop3A_318], %parallel_loop3A_314 {strides = array<i32>} : memref<3x56x224xf32, #tpu.memory_space<vmem>>, vector<16xf32>,
        } {sc.loop_unroll_factor = 14 : i64, sc.parallel_access}
      } {sc.loop_unroll_factor = 1 : i64, sc.parallel_access}
      %mul3A_188 = arith.constant 56 : i32
      %mul3A_189 = arith.muli %add3A_161, %mul3A_188 : i32
      %add3A_190 = arith.addi %mul3A_2, %mul3A_189 : i32
      %dma_start3A_191 = arith.constant 1 : i32
      %dma_start3A_192 = arith.constant 0 : i32
      %dma_start3A_193 = arith.constant 0 : i32
      %dma_start3A_194 = tpu.memref_slice %arg9[%dma_start3A_191, %dma_start3A_192, %dma_start3A_193] : memref<3x56x224xf32, #tpu.memory_space<vmem>> -> memref<1x56x224xf32, #tpu.memory_space<vmem>>
      %dma_start3A_195 = tpu.memref_squeeze %dma_start3A_194 : memref<1x56x224xf32, #tpu.memory_space<vmem>> -> memref<56x224xf32, #tpu.memory_space<vmem>>
      %dma_start3A_196 = arith.constant 0 : i32
      %dma_start3A_197 = tpu.memref_slice %arg5[%add3A_190, %dma_start3A_196] : memref<172032x224xf32, #tpu.memory_space<hbm>> -> memref<56x224xf32, #tpu.memory_space<hbm>>
      %dma_start3A_198 = arith.constant 0 : i32
      %dma_start3A_199 = tpu.memref_slice %arg5[%add3A_190, %dma_start3A_198] : memref<172032x224xf32, #tpu.memory_space<hbm>> -> memref<56x224xf32, #tpu.memory_space<hbm>>
      %dma_start3A_200 = arith.constant 0 : i32
      %dma_start3A_201 = arith.constant 0 : i32
      %dma_start3A_202 = tpu.memref_slice %arg9[%dma_start3A_191, %dma_start3A_200, %dma_start3A_201] : memref<3x56x224xf32, #tpu.memory_space<vmem>> -> memref<1x56x224xf32, #tpu.memory_space<vmem>>
      %dma_start3A_203 = tpu.memref_squeeze %dma_start3A_202 : memref<1x56x224xf32, #tpu.memory_space<vmem>> -> memref<56x224xf32, #tpu.memory_space<vmem>>
      tpu.enqueue_dma source(%dma_start3A_203 : memref<56x224xf32, #tpu.memory_space<vmem>>) target(%dma_start3A_199 : memref<56x224xf32, #tpu.memory_space<hbm>>) target_semaphore(%arg12 : memref<!tpu.dma_semaphore, #tpu.memory_space<semaphore_mem>>)
      %add3A_204 = arith.constant 3 : i32
      %add3A_205 = arith.addi %add3A_161, %add3A_204 : i32
      %lt3A_206 = arith.constant 96 : i32
      %lt3A_207 = arith.cmpi slt, %add3A_205, %lt3A_206 : i32
      %convert_element_type3A_208 = arith.extui %lt3A_207 : i1 to i32
      %cond3A_209 = arith.constant 0 : i32
      %cond3A_210 = arith.cmpi ne, %convert_element_type3A_208, %cond3A_209 : i32
      scf.if %cond3A_210 {
        %add3A_286 = arith.constant 3 : i32
        %add3A_287 = arith.addi %add3A_161, %add3A_286 : i32
        %mul3A_288 = arith.constant 56 : i32
        %mul3A_289 = arith.muli %add3A_287, %mul3A_288 : i32
        %add3A_290 = arith.addi %mul3A_2, %mul3A_289 : i32
        %dma_start3A_291 = arith.constant 1 : i32
        %dma_start3A_292 = arith.constant 0 : i32
        %dma_start3A_293 = arith.constant 0 : i32
        %dma_start3A_294 = tpu.memref_slice %arg8[%dma_start3A_291, %dma_start3A_292, %dma_start3A_293] : memref<3x56x224xf32, #tpu.memory_space<vmem>> -> memref<1x56x224xf32, #tpu.memory_space<vmem>>
        %dma_start3A_295 = tpu.memref_squeeze %dma_start3A_294 : memref<1x56x224xf32, #tpu.memory_space<vmem>> -> memref<56x224xf32, #tpu.memory_space<vmem>>
        %dma_start3A_296 = arith.constant 0 : i32
        %dma_start3A_297 = tpu.memref_slice %arg2[%add3A_290, %dma_start3A_296] : memref<172032x224xf32, #tpu.memory_space<hbm>> -> memref<56x224xf32, #tpu.memory_space<hbm>>
        %dma_start3A_298 = arith.constant 0 : i32
        %dma_start3A_299 = arith.constant 0 : i32
        %dma_start3A_300 = tpu.memref_slice %arg8[%dma_start3A_291, %dma_start3A_298, %dma_start3A_299] : memref<3x56x224xf32, #tpu.memory_space<vmem>> -> memref<1x56x224xf32, #tpu.memory_space<vmem>>
        %dma_start3A_301 = tpu.memref_squeeze %dma_start3A_300 : memref<1x56x224xf32, #tpu.memory_space<vmem>> -> memref<56x224xf32, #tpu.memory_space<vmem>>
        %dma_start3A_302 = arith.constant 0 : i32
        %dma_start3A_303 = tpu.memref_slice %arg2[%add3A_290, %dma_start3A_302] : memref<172032x224xf32, #tpu.memory_space<hbm>> -> memref<56x224xf32, #tpu.memory_space<hbm>>
        tpu.enqueue_dma source(%dma_start3A_303 : memref<56x224xf32, #tpu.memory_space<hbm>>) target(%dma_start3A_301 : memref<56x224xf32, #tpu.memory_space<vmem>>) target_semaphore(%arg11 : memref<!tpu.dma_semaphore, #tpu.memory_space<semaphore_mem>>)
      } else {
      }
      %rem3A_211 = arith.constant 4 : i32
      %rem3A_212 = arith.remsi %add3A_161, %rem3A_211 : i32
      %eq3A_213 = arith.constant 3 : i32
      %eq3A_214 = arith.cmpi eq, %rem3A_212, %eq3A_213 : i32
      %add3A_215 = arith.constant 1 : i32
      %add3A_216 = arith.addi %select_n3A_159, %add3A_215 : i32
      %select_n3A_217 = arith.select %eq3A_214, %add3A_216, %select_n3A_159 : i32
      %ge3A_218 = arith.constant 96 : i32
      %ge3A_219 = arith.cmpi sge, %select_n3A_217, %ge3A_218 : i32
      %sub3A_220 = arith.constant 96 : i32
      %sub3A_221 = arith.subi %select_n3A_217, %sub3A_220 : i32
      %select_n3A_222 = arith.select %ge3A_219, %sub3A_221, %select_n3A_217 : i32
      %add3A_223 = arith.constant 2 : i32
      %add3A_224 = arith.addi %add3A_104, %add3A_223 : i32
      %mul3A_225 = arith.constant 56 : i32
      %mul3A_226 = arith.muli %add3A_224, %mul3A_225 : i32
      %add3A_227 = arith.addi %mul3A_2, %mul3A_226 : i32
      %dma_wait3A_228 = arith.constant 2 : i32
      %dma_wait3A_229 = arith.constant 0 : i32
      %dma_wait3A_230 = arith.constant 0 : i32
      %dma_wait3A_231 = tpu.memref_slice %arg8[%dma_wait3A_228, %dma_wait3A_229, %dma_wait3A_230] : memref<3x56x224xf32, #tpu.memory_space<vmem>> -> memref<1x56x224xf32, #tpu.memory_space<vmem>>
      %dma_wait3A_232 = tpu.memref_squeeze %dma_wait3A_231 : memref<1x56x224xf32, #tpu.memory_space<vmem>> -> memref<56x224xf32, #tpu.memory_space<vmem>>
      %dma_wait3A_233 = arith.constant 0 : i32
      %dma_wait3A_234 = tpu.memref_slice %arg2[%add3A_227, %dma_wait3A_233] : memref<172032x224xf32, #tpu.memory_space<hbm>> -> memref<56x224xf32, #tpu.memory_space<hbm>>
      %dma_wait3A_235 = arith.constant 0 : i32
      %dma_wait3A_236 = arith.constant 0 : i32
      %dma_wait3A_237 = tpu.memref_slice %arg8[%dma_wait3A_228, %dma_wait3A_235, %dma_wait3A_236] : memref<3x56x224xf32, #tpu.memory_space<vmem>> -> memref<1x56x224xf32, #tpu.memory_space<vmem>>
      %dma_wait3A_238 = tpu.memref_squeeze %dma_wait3A_237 : memref<1x56x224xf32, #tpu.memory_space<vmem>> -> memref<56x224xf32, #tpu.memory_space<vmem>>
      %dma_wait3A_239 = arith.constant 0 : i32
      %dma_wait3A_240 = tpu.memref_slice %arg2[%add3A_227, %dma_wait3A_239] : memref<172032x224xf32, #tpu.memory_space<hbm>> -> memref<56x224xf32, #tpu.memory_space<hbm>>
      tpu.wait_dma2 semaphore(%arg11 : memref<!tpu.dma_semaphore, #tpu.memory_space<semaphore_mem>>) src(%dma_wait3A_240 : memref<56x224xf32, #tpu.memory_space<hbm>>) dst(%dma_wait3A_238 : memref<56x224xf32, #tpu.memory_space<vmem>>)
      %ge3A_241 = arith.constant 3 : i32
      %ge3A_242 = arith.cmpi sge, %add3A_224, %ge3A_241 : i32
      %convert_element_type3A_243 = arith.extui %ge3A_242 : i1 to i32
      %cond3A_244 = arith.constant 0 : i32
      %cond3A_245 = arith.cmpi ne, %convert_element_type3A_243, %cond3A_244 : i32
      scf.if %cond3A_245 {
        %sub3A_286 = arith.constant 3 : i32
        %sub3A_287 = arith.subi %add3A_224, %sub3A_286 : i32
        %mul3A_288 = arith.constant 56 : i32
        %mul3A_289 = arith.muli %sub3A_287, %mul3A_288 : i32
        %add3A_290 = arith.addi %mul3A_2, %mul3A_289 : i32
        %dma_wait3A_291 = arith.constant 2 : i32
        %dma_wait3A_292 = arith.constant 0 : i32
        %dma_wait3A_293 = arith.constant 0 : i32
        %dma_wait3A_294 = tpu.memref_slice %arg9[%dma_wait3A_291, %dma_wait3A_292, %dma_wait3A_293] : memref<3x56x224xf32, #tpu.memory_space<vmem>> -> memref<1x56x224xf32, #tpu.memory_space<vmem>>
        %dma_wait3A_295 = tpu.memref_squeeze %dma_wait3A_294 : memref<1x56x224xf32, #tpu.memory_space<vmem>> -> memref<56x224xf32, #tpu.memory_space<vmem>>
        %dma_wait3A_296 = arith.constant 0 : i32
        %dma_wait3A_297 = tpu.memref_slice %arg5[%add3A_290, %dma_wait3A_296] : memref<172032x224xf32, #tpu.memory_space<hbm>> -> memref<56x224xf32, #tpu.memory_space<hbm>>
        %dma_wait3A_298 = arith.constant 0 : i32
        %dma_wait3A_299 = tpu.memref_slice %arg5[%add3A_290, %dma_wait3A_298] : memref<172032x224xf32, #tpu.memory_space<hbm>> -> memref<56x224xf32, #tpu.memory_space<hbm>>
        %dma_wait3A_300 = arith.constant 0 : i32
        %dma_wait3A_301 = arith.constant 0 : i32
        %dma_wait3A_302 = tpu.memref_slice %arg9[%dma_wait3A_291, %dma_wait3A_300, %dma_wait3A_301] : memref<3x56x224xf32, #tpu.memory_space<vmem>> -> memref<1x56x224xf32, #tpu.memory_space<vmem>>
        %dma_wait3A_303 = tpu.memref_squeeze %dma_wait3A_302 : memref<1x56x224xf32, #tpu.memory_space<vmem>> -> memref<56x224xf32, #tpu.memory_space<vmem>>
        tpu.wait_dma2 semaphore(%arg12 : memref<!tpu.dma_semaphore, #tpu.memory_space<semaphore_mem>>) src(%dma_wait3A_303 : memref<56x224xf32, #tpu.memory_space<vmem>>) dst(%dma_wait3A_299 : memref<56x224xf32, #tpu.memory_space<hbm>>)
      } else {
      }
      %mul3A_246 = arith.constant 128 : i32
      %mul3A_247 = arith.muli %select_n3A_222, %mul3A_246 : i32
      %parallel_loop3A_248 = arith.constant 0 : i32
      %parallel_loop3A_249 = arith.constant 56 : i32
      %parallel_loop3A_250 = arith.constant 1 : i32
      scf.for %parallel_loop3A_286 = %parallel_loop3A_248 to %parallel_loop3A_249 step %parallel_loop3A_250  : i32 {
        %parallel_loop3A_287 = arith.constant 0 : i32
        %parallel_loop3A_288 = arith.constant 224 : i32
        %parallel_loop3A_289 = arith.constant 16 : i32
        scf.for %parallel_loop3A_290 = %parallel_loop3A_287 to %parallel_loop3A_288 step %parallel_loop3A_289  : i32 {
          %parallel_loop3A_291 = arith.constant 2 : i32
          %parallel_loop3A_292 = arith.index_cast %parallel_loop3A_291 : i32 to index
          %parallel_loop3A_293 = arith.index_cast %parallel_loop3A_286 : i32 to index
          %parallel_loop3A_294 = arith.index_cast %parallel_loop3A_290 : i32 to index
          %parallel_loop3A_295 = tpu.vector_load %arg8[%parallel_loop3A_292, %parallel_loop3A_293, %parallel_loop3A_294] {strides = array<i32>} : memref<3x56x224xf32, #tpu.memory_space<vmem>>, vector<16xf32>,
          %parallel_loop3A_296 = arith.constant 2.560000e+01 : f32
          %parallel_loop3A_297 = vector.broadcast %parallel_loop3A_296 : f32 to vector<16xf32>
          %parallel_loop3A_298 = arith.mulf %parallel_loop3A_295, %parallel_loop3A_297 : vector<16xf32>
          %parallel_loop3A_299 = arith.constant 6.400000e+01 : f32
          %parallel_loop3A_300 = vector.broadcast %parallel_loop3A_299 : f32 to vector<16xf32>
          %parallel_loop3A_301 = arith.addf %parallel_loop3A_298, %parallel_loop3A_300 : vector<16xf32>
          %parallel_loop3A_302 = arith.constant 0.000000e+00 : f32
          %parallel_loop3A_303 = arith.constant 1.270000e+02 : f32
          %parallel_loop3A_304 = vector.broadcast %parallel_loop3A_302 : f32 to vector<16xf32>
          %parallel_loop3A_305 = arith.maximumf %parallel_loop3A_304, %parallel_loop3A_301 : vector<16xf32>
          %parallel_loop3A_306 = vector.broadcast %parallel_loop3A_303 : f32 to vector<16xf32>
          %parallel_loop3A_307 = arith.minimumf %parallel_loop3A_306, %parallel_loop3A_305 : vector<16xf32>
          %parallel_loop3A_308 = arith.fptosi %parallel_loop3A_307 : vector<16xf32> to vector<16xi32>
          %parallel_loop3A_309 = tpu.memref_slice %arg6[%mul3A_247] : memref<12288xf32, #tpu.memory_space<vmem>> -> memref<128xf32, #tpu.memory_space<vmem>>
          %parallel_loop3A_310 = tpu.vector_load_idx %parallel_loop3A_309[%parallel_loop3A_308] : memref<128xf32, #tpu.memory_space<vmem>>[vector<16xi32>], vector<16xf32>,
          %parallel_loop3A_311 = tpu.memref_slice %arg7[%mul3A_247] : memref<12288xf32, #tpu.memory_space<vmem>> -> memref<128xf32, #tpu.memory_space<vmem>>
          %parallel_loop3A_312 = tpu.vector_load_idx %parallel_loop3A_311[%parallel_loop3A_308] : memref<128xf32, #tpu.memory_space<vmem>>[vector<16xi32>], vector<16xf32>,
          %parallel_loop3A_313 = arith.mulf %parallel_loop3A_301, %parallel_loop3A_312 : vector<16xf32>
          %parallel_loop3A_314 = arith.addf %parallel_loop3A_310, %parallel_loop3A_313 : vector<16xf32>
          %parallel_loop3A_315 = arith.constant 2 : i32
          %parallel_loop3A_316 = arith.index_cast %parallel_loop3A_315 : i32 to index
          %parallel_loop3A_317 = arith.index_cast %parallel_loop3A_286 : i32 to index
          %parallel_loop3A_318 = arith.index_cast %parallel_loop3A_290 : i32 to index
          %parallel_loop3A_319 = tpu.vector_load %arg9[%parallel_loop3A_316, %parallel_loop3A_317, %parallel_loop3A_318] {strides = array<i32>} : memref<3x56x224xf32, #tpu.memory_space<vmem>>, vector<16xf32>,
          tpu.vector_store %arg9[%parallel_loop3A_316, %parallel_loop3A_317, %parallel_loop3A_318], %parallel_loop3A_314 {strides = array<i32>} : memref<3x56x224xf32, #tpu.memory_space<vmem>>, vector<16xf32>,
        } {sc.loop_unroll_factor = 14 : i64, sc.parallel_access}
      } {sc.loop_unroll_factor = 1 : i64, sc.parallel_access}
      %mul3A_251 = arith.constant 56 : i32
      %mul3A_252 = arith.muli %add3A_224, %mul3A_251 : i32
      %add3A_253 = arith.addi %mul3A_2, %mul3A_252 : i32
      %dma_start3A_254 = arith.constant 2 : i32
      %dma_start3A_255 = arith.constant 0 : i32
      %dma_start3A_256 = arith.constant 0 : i32
      %dma_start3A_257 = tpu.memref_slice %arg9[%dma_start3A_254, %dma_start3A_255, %dma_start3A_256] : memref<3x56x224xf32, #tpu.memory_space<vmem>> -> memref<1x56x224xf32, #tpu.memory_space<vmem>>
      %dma_start3A_258 = tpu.memref_squeeze %dma_start3A_257 : memref<1x56x224xf32, #tpu.memory_space<vmem>> -> memref<56x224xf32, #tpu.memory_space<vmem>>
      %dma_start3A_259 = arith.constant 0 : i32
      %dma_start3A_260 = tpu.memref_slice %arg5[%add3A_253, %dma_start3A_259] : memref<172032x224xf32, #tpu.memory_space<hbm>> -> memref<56x224xf32, #tpu.memory_space<hbm>>
      %dma_start3A_261 = arith.constant 0 : i32
      %dma_start3A_262 = tpu.memref_slice %arg5[%add3A_253, %dma_start3A_261] : memref<172032x224xf32, #tpu.memory_space<hbm>> -> memref<56x224xf32, #tpu.memory_space<hbm>>
      %dma_start3A_263 = arith.constant 0 : i32
      %dma_start3A_264 = arith.constant 0 : i32
      %dma_start3A_265 = tpu.memref_slice %arg9[%dma_start3A_254, %dma_start3A_263, %dma_start3A_264] : memref<3x56x224xf32, #tpu.memory_space<vmem>> -> memref<1x56x224xf32, #tpu.memory_space<vmem>>
      %dma_start3A_266 = tpu.memref_squeeze %dma_start3A_265 : memref<1x56x224xf32, #tpu.memory_space<vmem>> -> memref<56x224xf32, #tpu.memory_space<vmem>>
      tpu.enqueue_dma source(%dma_start3A_266 : memref<56x224xf32, #tpu.memory_space<vmem>>) target(%dma_start3A_262 : memref<56x224xf32, #tpu.memory_space<hbm>>) target_semaphore(%arg12 : memref<!tpu.dma_semaphore, #tpu.memory_space<semaphore_mem>>)
      %add3A_267 = arith.constant 3 : i32
      %add3A_268 = arith.addi %add3A_224, %add3A_267 : i32
      %lt3A_269 = arith.constant 96 : i32
      %lt3A_270 = arith.cmpi slt, %add3A_268, %lt3A_269 : i32
      %convert_element_type3A_271 = arith.extui %lt3A_270 : i1 to i32
      %cond3A_272 = arith.constant 0 : i32
      %cond3A_273 = arith.cmpi ne, %convert_element_type3A_271, %cond3A_272 : i32
      scf.if %cond3A_273 {
        %add3A_286 = arith.constant 3 : i32
        %add3A_287 = arith.addi %add3A_224, %add3A_286 : i32
        %mul3A_288 = arith.constant 56 : i32
        %mul3A_289 = arith.muli %add3A_287, %mul3A_288 : i32
        %add3A_290 = arith.addi %mul3A_2, %mul3A_289 : i32
        %dma_start3A_291 = arith.constant 2 : i32
        %dma_start3A_292 = arith.constant 0 : i32
        %dma_start3A_293 = arith.constant 0 : i32
        %dma_start3A_294 = tpu.memref_slice %arg8[%dma_start3A_291, %dma_start3A_292, %dma_start3A_293] : memref<3x56x224xf32, #tpu.memory_space<vmem>> -> memref<1x56x224xf32, #tpu.memory_space<vmem>>
        %dma_start3A_295 = tpu.memref_squeeze %dma_start3A_294 : memref<1x56x224xf32, #tpu.memory_space<vmem>> -> memref<56x224xf32, #tpu.memory_space<vmem>>
        %dma_start3A_296 = arith.constant 0 : i32
        %dma_start3A_297 = tpu.memref_slice %arg2[%add3A_290, %dma_start3A_296] : memref<172032x224xf32, #tpu.memory_space<hbm>> -> memref<56x224xf32, #tpu.memory_space<hbm>>
        %dma_start3A_298 = arith.constant 0 : i32
        %dma_start3A_299 = arith.constant 0 : i32
        %dma_start3A_300 = tpu.memref_slice %arg8[%dma_start3A_291, %dma_start3A_298, %dma_start3A_299] : memref<3x56x224xf32, #tpu.memory_space<vmem>> -> memref<1x56x224xf32, #tpu.memory_space<vmem>>
        %dma_start3A_301 = tpu.memref_squeeze %dma_start3A_300 : memref<1x56x224xf32, #tpu.memory_space<vmem>> -> memref<56x224xf32, #tpu.memory_space<vmem>>
        %dma_start3A_302 = arith.constant 0 : i32
        %dma_start3A_303 = tpu.memref_slice %arg2[%add3A_290, %dma_start3A_302] : memref<172032x224xf32, #tpu.memory_space<hbm>> -> memref<56x224xf32, #tpu.memory_space<hbm>>
        tpu.enqueue_dma source(%dma_start3A_303 : memref<56x224xf32, #tpu.memory_space<hbm>>) target(%dma_start3A_301 : memref<56x224xf32, #tpu.memory_space<vmem>>) target_semaphore(%arg11 : memref<!tpu.dma_semaphore, #tpu.memory_space<semaphore_mem>>)
      } else {
      }
      %rem3A_274 = arith.constant 4 : i32
      %rem3A_275 = arith.remsi %add3A_224, %rem3A_274 : i32
      %eq3A_276 = arith.constant 3 : i32
      %eq3A_277 = arith.cmpi eq, %rem3A_275, %eq3A_276 : i32
      %add3A_278 = arith.constant 1 : i32
      %add3A_279 = arith.addi %select_n3A_222, %add3A_278 : i32
      %select_n3A_280 = arith.select %eq3A_277, %add3A_279, %select_n3A_222 : i32
      %ge3A_281 = arith.constant 96 : i32
      %ge3A_282 = arith.cmpi sge, %select_n3A_280, %ge3A_281 : i32
      %sub3A_283 = arith.constant 96 : i32
      %sub3A_284 = arith.subi %select_n3A_280, %sub3A_283 : i32
      %select_n3A_285 = arith.select %ge3A_282, %sub3A_284, %select_n3A_280 : i32
      scf.yield %select_n3A_285 : i32
    }
    %scan3A_54 = arith.constant 32 : i32
    %add3A_55 = arith.constant 5208 : i32
    %add3A_56 = arith.addi %mul3A_2, %add3A_55 : i32
    %dma_wait3A = arith.constant 0 : i32
    %dma_wait3A_57 = arith.constant 0 : i32
    %dma_wait3A_58 = arith.constant 0 : i32
    %dma_wait3A_59 = tpu.memref_slice %arg9[%dma_wait3A, %dma_wait3A_57, %dma_wait3A_58] : memref<3x56x224xf32, #tpu.memory_space<vmem>> -> memref<1x56x224xf32, #tpu.memory_space<vmem>>
    %dma_wait3A_60 = tpu.memref_squeeze %dma_wait3A_59 : memref<1x56x224xf32, #tpu.memory_space<vmem>> -> memref<56x224xf32, #tpu.memory_space<vmem>>
    %dma_wait3A_61 = arith.constant 0 : i32
    %dma_wait3A_62 = tpu.memref_slice %arg5[%add3A_56, %dma_wait3A_61] : memref<172032x224xf32, #tpu.memory_space<hbm>> -> memref<56x224xf32, #tpu.memory_space<hbm>>
    %dma_wait3A_63 = arith.constant 0 : i32
    %dma_wait3A_64 = tpu.memref_slice %arg5[%add3A_56, %dma_wait3A_63] : memref<172032x224xf32, #tpu.memory_space<hbm>> -> memref<56x224xf32, #tpu.memory_space<hbm>>
    %dma_wait3A_65 = arith.constant 0 : i32
    %dma_wait3A_66 = arith.constant 0 : i32
    %dma_wait3A_67 = tpu.memref_slice %arg9[%dma_wait3A, %dma_wait3A_65, %dma_wait3A_66] : memref<3x56x224xf32, #tpu.memory_space<vmem>> -> memref<1x56x224xf32, #tpu.memory_space<vmem>>
    %dma_wait3A_68 = tpu.memref_squeeze %dma_wait3A_67 : memref<1x56x224xf32, #tpu.memory_space<vmem>> -> memref<56x224xf32, #tpu.memory_space<vmem>>
    tpu.wait_dma2 semaphore(%arg12 : memref<!tpu.dma_semaphore, #tpu.memory_space<semaphore_mem>>) src(%dma_wait3A_68 : memref<56x224xf32, #tpu.memory_space<vmem>>) dst(%dma_wait3A_64 : memref<56x224xf32, #tpu.memory_space<hbm>>)
    %add3A_69 = arith.constant 5264 : i32
    %add3A_70 = arith.addi %mul3A_2, %add3A_69 : i32
    %dma_wait3A_71 = arith.constant 1 : i32
    %dma_wait3A_72 = arith.constant 0 : i32
    %dma_wait3A_73 = arith.constant 0 : i32
    %dma_wait3A_74 = tpu.memref_slice %arg9[%dma_wait3A_71, %dma_wait3A_72, %dma_wait3A_73] : memref<3x56x224xf32, #tpu.memory_space<vmem>> -> memref<1x56x224xf32, #tpu.memory_space<vmem>>
    %dma_wait3A_75 = tpu.memref_squeeze %dma_wait3A_74 : memref<1x56x224xf32, #tpu.memory_space<vmem>> -> memref<56x224xf32, #tpu.memory_space<vmem>>
    %dma_wait3A_76 = arith.constant 0 : i32
    %dma_wait3A_77 = tpu.memref_slice %arg5[%add3A_70, %dma_wait3A_76] : memref<172032x224xf32, #tpu.memory_space<hbm>> -> memref<56x224xf32, #tpu.memory_space<hbm>>
    %dma_wait3A_78 = arith.constant 0 : i32
    %dma_wait3A_79 = tpu.memref_slice %arg5[%add3A_70, %dma_wait3A_78] : memref<172032x224xf32, #tpu.memory_space<hbm>> -> memref<56x224xf32, #tpu.memory_space<hbm>>
    %dma_wait3A_80 = arith.constant 0 : i32
    %dma_wait3A_81 = arith.constant 0 : i32
    %dma_wait3A_82 = tpu.memref_slice %arg9[%dma_wait3A_71, %dma_wait3A_80, %dma_wait3A_81] : memref<3x56x224xf32, #tpu.memory_space<vmem>> -> memref<1x56x224xf32, #tpu.memory_space<vmem>>
    %dma_wait3A_83 = tpu.memref_squeeze %dma_wait3A_82 : memref<1x56x224xf32, #tpu.memory_space<vmem>> -> memref<56x224xf32, #tpu.memory_space<vmem>>
    tpu.wait_dma2 semaphore(%arg12 : memref<!tpu.dma_semaphore, #tpu.memory_space<semaphore_mem>>) src(%dma_wait3A_83 : memref<56x224xf32, #tpu.memory_space<vmem>>) dst(%dma_wait3A_79 : memref<56x224xf32, #tpu.memory_space<hbm>>)
    %add3A_84 = arith.constant 5320 : i32
    %add3A_85 = arith.addi %mul3A_2, %add3A_84 : i32
    %dma_wait3A_86 = arith.constant 2 : i32
    %dma_wait3A_87 = arith.constant 0 : i32
    %dma_wait3A_88 = arith.constant 0 : i32
    %dma_wait3A_89 = tpu.memref_slice %arg9[%dma_wait3A_86, %dma_wait3A_87, %dma_wait3A_88] : memref<3x56x224xf32, #tpu.memory_space<vmem>> -> memref<1x56x224xf32, #tpu.memory_space<vmem>>
    %dma_wait3A_90 = tpu.memref_squeeze %dma_wait3A_89 : memref<1x56x224xf32, #tpu.memory_space<vmem>> -> memref<56x224xf32, #tpu.memory_space<vmem>>
    %dma_wait3A_91 = arith.constant 0 : i32
    %dma_wait3A_92 = tpu.memref_slice %arg5[%add3A_85, %dma_wait3A_91] : memref<172032x224xf32, #tpu.memory_space<hbm>> -> memref<56x224xf32, #tpu.memory_space<hbm>>
    %dma_wait3A_93 = arith.constant 0 : i32
    %dma_wait3A_94 = tpu.memref_slice %arg5[%add3A_85, %dma_wait3A_93] : memref<172032x224xf32, #tpu.memory_space<hbm>> -> memref<56x224xf32, #tpu.memory_space<hbm>>
    %dma_wait3A_95 = arith.constant 0 : i32
    %dma_wait3A_96 = arith.constant 0 : i32
    %dma_wait3A_97 = tpu.memref_slice %arg9[%dma_wait3A_86, %dma_wait3A_95, %dma_wait3A_96] : memref<3x56x224xf32, #tpu.memory_space<vmem>> -> memref<1x56x224xf32, #tpu.memory_space<vmem>>
    %dma_wait3A_98 = tpu.memref_squeeze %dma_wait3A_97 : memref<1x56x224xf32, #tpu.memory_space<vmem>> -> memref<56x224xf32, #tpu.memory_space<vmem>>
    tpu.wait_dma2 semaphore(%arg12 : memref<!tpu.dma_semaphore, #tpu.memory_space<semaphore_mem>>) src(%dma_wait3A_98 : memref<56x224xf32, #tpu.memory_space<vmem>>) dst(%dma_wait3A_94 : memref<56x224xf32, #tpu.memory_space<hbm>>)
    return
  }
}

</mosaic_0001>

<sc_bundles>
// kernel: kernel.3.cloned.1.call-start
scs
__scs_entry_jumppad:
0x0: {  	(pc) =	sbr.rel $0x88, $3  }
0x1: {  	(tag) =	ssettag $0x0;
	lr =	simm.s32 $0x1  }
0x2: {  	[smem:$0x3F9F] =	sst lr;
	_ =	strace $0xD0000000  }
0x3: {  	_ = 	snop  }
0x4: {  	_ = 	snop  }
0x5: {  	_ = 	snop  }
0x6: {  	_ = 	snop  }
0x7: {  	_ = 	snop  }
__scs_overlays_trampoline_lowered:
0x8: {  	[smem:$0x3FAE] =	sst s0  }
0x9: {  	[smem:$0x3FAF] =	sst s1  }
0xa: {  	[smem:$0x3FB0] =	sst s2  }
0xb: {  	[smem:$0x3FB1] =	sst s3  }
0xc: {  	[smem:$0x3FB2] =	sst s4  }
0xd: {  	[smem:$0x3FB3] =	sst s5  }
0xe: {  	[smem:$0x3FB4] =	sst s6  }
0xf: {  	[smem:$0x3FB5] =	sst s7  }
0x10: {  	[smem:$0x3FB6] =	sst s8  }
0x11: {  	[smem:$0x3FB7] =	sst s9;
	s0 =	simm.s32 @!p0 $0x0  }
0x12: {  	s1 =	sld [smem:$0x3F9D];
	s0 =	simm.s32 @p0 $0x1  }
0x13: {  	[smem:$0x3FB8] =	sst s0;
	s0 =	simm.s32 @!p1 $0x0  }
0x14: {  	s2 =	sld [smem:$0x3F9C];
	s0 =	simm.s32 @p1 $0x1  }
0x15: {  	[smem:$0x3FB9] =	sst s0;
	s0 =	simm.s32 @!p2 $0x0  }
0x16: {  	s3 =	sld [smem:$0x3FDB];
	s0 =	simm.s32 @p2 $0x1  }
0x17: {  	s4 =	simm.s32 $0x1BF5;
	[smem:$0x3FBB] =	sst s0  }
0x18: {  	s0 =	sld [smem:$0x3F9E];
	_ =	swait.ge [sflag:s4], $0x0  }
0x19: {  	s7 =	sld [smem:$0x3F9F]  }
0x1a: {  	s8 =	sadd.s32 $0xFFFFE003, lr  }
0x1b: {  	s9 =	sadd.s32 $0xFFFFFEF7, lr;
	s5 =	simm.s32 $0xFFFFFFFF;
	p2 =	slt.u32 s8, $0xFFFFF086  }
0x1c: {  	p1 =	slt.u32 s9, $0xF7A;
	s5 =	simm.s32 @!p2 $0x0  }
0x1d: {  	s5 =	simm.s32 @p1 $0x1;
	p0 =	seq.s32 s7, s2  }
0x1e: {  	s7 =	smul.u32 @!p0 $0xF7A, s2;
	p2 =	seq.s32 @!p0 s5, $0x0  }
0x1f: {  	s9 =	smul.u32 $0xF7A, s1;
	s8 =	simm.s32 @!p0 $0x1BF5;
	p2 =	por !p2, p0  }
0x20: {  	[sflag:s8] =	ssyncset.s32 @!p0 $0xFFFFF086;
	s6 =	sadd.s32 @!p0 s3, s7;
	s7 =	simm.s32 @!p0 $0x108  }
0x21: {  	s3 =	sadd.s32 s3, s9;
	s6 =	sadd.s32 @!p0 $0x88, s6;
	s7 =	simm.s32 @p2 $0x1082  }
0x22: {  	[simem:s7], [sflag:s8] =	dma.local @!p0 [hbm:s6], $0xF7A  }
0x23: {  	s9 =	sor.u32 $0xD0000000, s2;
	s6 =	simm.s32 $0x108;
	_ =	swait.ge @!p0 [sflag:s8], $0x0  }
0x24: {  	s3 =	sadd.s32 $0x88, s3;
	s6 =	simm.s32 @!p1 $0x1082;
	[sflag:s4] =	ssyncset.s32 $0xFFFFF086  }
0x25: {  	[simem:s6], [sflag:s4] =	dma.local [hbm:s3], $0xF7A  }
0x26: {  	[smem:$0x3F9F] =	sst s1;
	(tag) =	ssettag s2;
	_ =	strace s9  }
0x27: {  	s1 =	sld [smem:$0x3FAF]  }
0x28: {  	s2 =	sld [smem:$0x3FB0]  }
0x29: {  	s4 =	sld [smem:$0x3FB2]  }
0x2a: {  	p0 =	seq.s32 s5, $0x0;
	s5 =	sld [smem:$0x3FB3]  }
0x2b: {  	s6 =	sld [smem:$0x3FB4]  }
0x2c: {  	s7 =	sld [smem:$0x3FB5]  }
0x2d: {  	s3 =	simm.s32 $0x108;
	s8 =	sld [smem:$0x3FB6]  }
0x2e: {  	s3 =	simm.s32 @!p0 $0x1082;
	s9 =	sld [smem:$0x3FB7]  }
0x2f: {  	lr =	sadd.s32 s0, s3;
	s0 =	sld [smem:$0x3FAE]  }
0x30: {  	s3 =	sld [smem:$0x3FB1]  }
0x31: {  	[smem:$0x3FBA] =	sst s10  }
0x32: {  	s10 =	sld [smem:$0x3FB8];
	_ =	sdelay $0x3  }
0x33: {  	p0 =	seq.s32 s10, $0x1;
	s10 =	sld [smem:$0x3FBA];
	_ =	sdelay $0x3  }
0x34: {  	[smem:$0x3FBA] =	sst s10  }
0x35: {  	s10 =	sld [smem:$0x3FB9];
	_ =	sdelay $0x3  }
0x36: {  	p1 =	seq.s32 s10, $0x1;
	s10 =	sld [smem:$0x3FBA];
	_ =	sdelay $0x3  }
0x37: {  	[smem:$0x3FBA] =	sst s10  }
0x38: {  	s10 =	sld [smem:$0x3FBB]  }
0x39: {  	_ = 	snop;
	(pc) =	sbr.ind lr, $3  }
0x3a: {  	_ = 	snop  }
0x3b: {  	_ = 	snop  }
0x3c: {  	p2 =	seq.s32 s10, $0x1;
	s10 =	sld [smem:$0x3FBA]  }
0x3d: {  	_ =	shalt  }
0x3e: {  	_ =	shalt  }
0x3f: {  	_ =	shalt  }
0x40: {  	_ =	shalt  }
0x41: {  	_ =	shalt  }
0x42: {  	_ =	shalt  }
0x43: {  	_ =	shalt  }
0x44: {  	_ =	shalt  }
0x45: {  	_ =	shalt  }
0x46: {  	_ =	shalt  }
0x47: {  	_ =	shalt  }
0x48: {  	_ =	shalt  }
0x49: {  	_ =	shalt  }
0x4a: {  	_ =	shalt  }
0x4b: {  	_ =	shalt  }
0x4c: {  	_ =	shalt  }
0x4d: {  	_ =	shalt  }
0x4e: {  	_ =	shalt  }
0x4f: {  	_ =	shalt  }
0x50: {  	_ =	shalt  }
0x51: {  	_ =	shalt  }
0x52: {  	_ =	shalt  }
0x53: {  	_ =	shalt  }
0x54: {  	_ =	shalt  }
0x55: {  	_ =	shalt  }
0x56: {  	_ =	shalt  }
0x57: {  	_ =	shalt  }
0x58: {  	_ =	shalt  }
0x59: {  	_ =	shalt  }
0x5a: {  	_ =	shalt  }
0x5b: {  	_ =	shalt  }
0x5c: {  	_ =	shalt  }
0x5d: {  	_ =	shalt  }
0x5e: {  	_ =	shalt  }
0x5f: {  	_ =	shalt  }
0x60: {  	_ =	shalt  }
0x61: {  	_ =	shalt  }
0x62: {  	_ =	shalt  }
0x63: {  	_ =	shalt  }
0x64: {  	_ =	shalt  }
0x65: {  	_ =	shalt  }
0x66: {  	_ =	shalt  }
0x67: {  	_ =	shalt  }
0x68: {  	_ =	shalt  }
0x69: {  	_ =	shalt  }
0x6a: {  	_ =	shalt  }
0x6b: {  	_ =	shalt  }
0x6c: {  	_ =	shalt  }
0x6d: {  	_ =	shalt  }
0x6e: {  	_ =	shalt  }
0x6f: {  	_ =	shalt  }
0x70: {  	_ =	shalt  }
0x71: {  	_ =	shalt  }
0x72: {  	_ =	shalt  }
0x73: {  	_ =	shalt  }
0x74: {  	_ =	shalt  }
0x75: {  	_ =	shalt  }
0x76: {  	_ =	shalt  }
0x77: {  	_ =	shalt  }
0x78: {  	_ =	shalt  }
0x79: {  	_ =	shalt  }
0x7a: {  	_ =	shalt  }
0x7b: {  	_ =	shalt  }
0x7c: {  	_ =	shalt  }
0x7d: {  	_ =	shalt  }
0x7e: {  	_ =	shalt  }
0x7f: {  	_ =	shalt  }
0x80: {  	_ =	shalt  }
0x81: {  	_ =	shalt  }
0x82: {  	_ =	shalt  }
0x83: {  	_ =	shalt  }
0x84: {  	_ =	shalt  }
0x85: {  	_ =	shalt  }
0x86: {  	_ =	shalt  }
0x87: {  	_ =	shalt  }
.Lfunc_end0:
.L_simem_size_0:
called_computation_lowered:
.L_overlay_start_0:
0x88: {  	s2 =	sld [smem:$0x3FD9]  }
0x89: {  	s3 =	sld [smem:$0x3FFE];
	_ =	sdelay $0x1  }
0x8a: {  	s1 =	srdreg.scid  }
0x8b: {  	s0 =	sand.u32 $0x1, s1  }
0x8c: {  	s17 =	sshll.u32 s0, $0xA;
	s2 =	sadd.s32 s3, s2  }
0x8d: {  	s2 =	sadd.s32 s2, s17  }
0x8e: {  	[smem:$0x3FC6] =	sst s2  }
0x8f: {  	_ = 	snop  }
0x90: {  	s2 =	sld [smem:$0x3FC9]  }
0x91: {  	s18 =	sld [smem:$0x3FD0];
	(tm) =	ssettm $0x1  }
0x92: {  	s4 =	sld [smem:$0x3FFB];
	_ =	sdelay $0x3  }
0x93: {  	_ =	strace s4  }
0x94: {  	s4 =	sld [smem:$0x3FFC];
	_ =	sdelay $0x3  }
0x95: {  	_ =	strace s4  }
0x96: {  	s4 =	sld [smem:$0x3FFD];
	_ =	sdelay $0x3  }
0x97: {  	_ =	strace s4  }
0x98: {  	_ =	strace $0x8FFFFFFF  }
0x99: {  	s19 =	sld [smem:$0x3FDB];
	_ =	sdelay $0x1  }
0x9a: {  	s5 =	simm.s32 $_scs_section_size  }
0x9b: {  	s6 =	simm.s32 $_size__tile_overlayer_lowered;
	s7 =	simm.s32 $_tile_overlayer_lowered  }
0x9c: {  	s22 =	simm.s32 $0x1BFF;
	s21 =	sshll.u32 s7, $0x1;
	s4 =	sadd.s32 s5, s19  }
0x9d: {  	s8 =	simm.s32 $0x0;
	s20 =	sshll.u32 s6, $0x1;
	s6 =	sadd.s32 s21, s4  }
0x9e: {  	[timem:s8], [sflag:s22] =	dma.local [hbm:s6], s20  }
0x9f: {  	_ =	swait.ge [sflag:s22], s20  }
0xa0: {  	s5 =	ssub.s32 $0x0, s20;
	[sflag:s22] =	ssyncset.done $0x0  }
0xa1: {  	[sflag:s22] =	ssyncadd.s32 s5;
	_ =	sdelay $0x1  }
0xa2: {  	s23 =	simm.s32 $0x1B8B  }
0xa3: {  	_ =	swait.ge [sflag:s23], $0x1  }
0xa4: {  	[sflag:s23] =	ssyncset.done $0x0  }
0xa5: {  	s25 =	simm.s32 $0x1B8E;
	s24 =	sld [smem:$0x3FFE];
	[sflag:s23] =	ssyncadd.s32 $0xFFFFFFFF  }
0xa6: {  	s26 =	simm.s32 $execute0_lowered;
	[smem:$0x3FD2] =	sst s25  }
0xa7: {  	s6 =	sshll.u32 s26, $0x1;
	_ =	strace $0x80000046;
	[dreg:$0x1] =	wrdreg $0xFFFFFFFF  }
0xa8: {  	s28 =	simm.s32 $_size_execute0_lowered;
	s4 =	sadd.s32 s4, s6;
	[dreg:$0x0] =	wrdreg $0x0  }
0xa9: {  	s6 =	sshll.u32 s28, $0x1;
	[dreg:$0x2] =	wrdreg s4  }
0xaa: {  	[dreg:$0x3] =	wrdreg s6  }
0xab: {  	[dreg:$0x4] =	wrdreg $0xC0  }
0xac: {  	_ =	task [dreg:s8], $0x5FFFF  }
0xad: {  	[dreg:$0x1] =	wrdreg $0xFFFFFFFF  }
0xae: {  	[dreg:$0x0] =	wrdreg $0x60  }
0xaf: {  	[dreg:$0x2] =	wrdreg s2  }
0xb0: {  	[dreg:$0x3] =	wrdreg s24  }
0xb1: {  	[dreg:$0x4] =	wrdreg s18  }
0xb2: {  	[dreg:$0x5] =	wrdreg $0x9  }
0xb3: {  	_ =	task.clear_ibuf [dreg:s8], $0x6FFFF;
	_ =	strace $0x90000046  }
0xb4: {  	s29 =	simm.s32 $0x9;
	_ =	strace $0x80000048  }
0xb5: {  	_ =	swait.ge [sflag:s29], $0x1  }
0xb6: {  	[sflag:s29] =	ssyncadd.s32 $0xFFFFFFFF  }
0xb7: {  	_ =	strace $0x90000048  }
0xb8: {  	_ =	sfence  }
0xb9: {  	s30 =	sld [smem:$0x0];
	_ =	sdelay $0x2  }
0xba: {  	s31 =	sshll.u32 s1, $0xD;
	s1 =	sshrl.u32 s1, $0x2  }
0xbb: {  	s3 =	sand.u32 $0x4000, s31;
	s1 =	sadd.s32 s1, s30  }
0xbc: {  	s0 =	sor.u32 s3, s0;
	s1 =	sshll.u32 s1, $0x11  }
0xbd: {  	s0 =	sor.u32 s1, s0  }
0xbe: {  	s0 =	sadd.s32 $0x8F2B, s0  }
0xbf: {  	[sflag:s0] =	ssyncadd.remote.s32 $0x1  }
0xc0: {  	_ =	sfence.sel $0xFFFF  }
0xc1: {  	[dreg:$0x0] =	wrdreg $0xFFFFFFFF;
	(pc) =	sbr.abs _section_cstart, $3  }
0xc2: {  	[dreg:$0x1] =	wrdreg $0xFFFFFFFF  }
0xc3: {  	_ =	task.clear_ibuf [dreg:s8], $0x2FFFF;
	_ =	strace $0x9FFFFFFF  }
0xc4: {  	(tm) =	ssettm $0x7FFFFFFF  }
0xc5: {  	_ =	shalt  }
tec
execute0_lowered:
.L_overlay_start_1:
0x0: {  	(tag) =	ssettag $0x1  }
0x1: {  	s1 =	rddreg [dreg:$0x0]  }
0x2: {  	s0 =	srdreg.scid;
	s5 =	rddreg [dreg:$0x1]  }
0x3: {  	s2 =	stileid.u32;
	s3 =	rddreg [dreg:$0x2];
	s4 =	simm.s32 $0x0  }
0x4: {  	s16 =	simm.s32 $0x1;
	s21 =	simm.s32 $0x2;
	s22 =	simm.s32 $0x10800  }
0x5: {  	s23 =	simm.s32 $0x14000;
	s0 =	sand.u32 $0x1, s0;
	s2 =	sshll.u32 s2, $0x1  }
0x6: {  	s24 =	simm.s32 $0x17800;
	s25 =	simm.s32 $0x3;
	s2 =	sor.u32 s0, s2  }
0x7: {  	s26 =	simm.s32 $0x0;
	[smem:$0x7FF] =	sst s4;
	s6 =	smul.u32 $0x4008, s2  }
0x8: {  	s10 =	sadd.s32 $0xE00, s5;
	s5 =	sadd.s32 $0x800, s5;
	s8 =	smul.u32 $0x18, s2  }
0x9: {  	s0 =	ssub.s32 $0x2, s0;
	s9 =	smul.u32 $0x2A000, s2;
	s6 =	sshrl.u32 s6, $0x10  }
0xa: {  	_ =	strace $0x80000047;
	s7 =	sshrl.u32 s0, $0x1;
	s6 =	smul.u32 $0x60, s6  }
0xb: {  	[dreg:$0x4] =	wrdreg s10;
	s0 =	ssub.s32 s0, s7;
	s7 =	smul.u32 $0x1500, s2  }
0xc: {  	[dreg:$0x5] =	wrdreg s5;
	s29 =	ssub.s32 s8, s6;
	s8 =	sadd.s32 s1, s9  }
0xd: {  	s15 =	smax.u32 s0, $0x1;
	s12 =	sor.u32 $0xA8, s7;
	s30 =	sadd.s32 $0x700, s8  }
0xe: {  	s13 =	sor.u32 $0xE0, s7;
	s31 =	sadd.s32 $0xE00, s8;
	[dreg:$0x6] =	wrdreg s30  }
0xf: {  	s14 =	sadd.s32 $0x118, s7;
	s9 =	sand.u32 $0xFFF8, s29;
	[dreg:$0x7] =	wrdreg s31  }
.LBB2_1:
0x10: {  	s0 =	rddreg [dreg:$0x4]  }
0x11: {  	[tilespmem:s4], [sflag:$0x1] =	stream.linear.gather [hbm4b:s0+s4], $0x3000, $0x38;
	[tilespmem:$0x1B000] =	vst v63  }
0x12: {  	_ =	swait.ge [sflag:s16], $0x3000  }
0x13: {  	[sflag:s16] =	ssyncset.done $0x0  }
0x14: {  	s2 =	simm.s32 $0x3000;
	s17 =	rddreg [dreg:$0x5];
	[sflag:s16] =	ssyncadd.s32 $0xFFFFD000  }
0x15: {  	[tilespmem:s2], [sflag:$0x1] =	stream.linear.gather [hbm4b:s17+s4], $0x3000, $0x38;
	[tilespmem:$0x1B000] =	vst v63  }
0x16: {  	_ =	swait.ge [sflag:s16], $0x3000  }
0x17: {  	[sflag:s16] =	ssyncset.done $0x0  }
0x18: {  	s18 =	simm.s32 $0x6000;
	[sflag:s16] =	ssyncadd.s32 $0xFFFFD000  }
0x19: {  	[tilespmem:s18], [sflag:$0x2] =	stream.linear.gather [hbm4b:s8+s4], $0x3800, $0x38;
	[tilespmem:$0x1B000] =	vst v63  }
0x1a: {  	s20 =	simm.s32 $0x9800;
	s30 =	simm.s32 $0xD000;
	s19 =	rddreg [dreg:$0x6]  }
0x1b: {  	[tilespmem:s20], [sflag:$0x2] =	stream.linear.gather [hbm4b:s19+s4], $0x3800, $0x38;
	[tilespmem:$0x1B000] =	vst v63  }
0x1c: {  	s31 =	smov.u32 s9;
	s28 =	simm.s32 $0x0;
	s29 =	rddreg [dreg:$0x7]  }
0x1d: {  	[tilespmem:s30], [sflag:$0x2] =	stream.linear.gather [hbm4b:s29+s4], $0x3800, $0x38;
	[tilespmem:$0x1B000] =	vst v63  }
.LBB2_2:
0x1e: {  	_ =	swait.ge [sflag:s21], $0x3800  }
0x1f: {  	p1 =	seq.s32 s28, $0x0;
	[sflag:s21] =	ssyncset.done $0x0  }
0x20: {  	s0 =	simm.s32 @!p1 $0x3;
	[sflag:s21] =	ssyncadd.s32 $0xFFFFC800  }
0x21: {  	s2 =	simm.s32 $0x0;
	_ =	swait.ge @!p1 [sflag:s0], $0x3800  }
0x22: {  	s5 =	sand.u32 $0x3800, s2;
	s2 =	sand.u32 $0x380, s2;
	[sflag:s0] =	ssyncset.done @!p1 $0x0  }
0x23: {  	[sflag:s0] =	ssyncadd.s32 @!p1 $0xFFFFC800;
	s0 =	sor.u32 s2, s5  }
0x24: {  	v0 =	vld [tilespmem:s0+$0x6450]  }
0x25: {  	v1 =	vld [tilespmem:s0+$0x6000]  }
0x26: {  	v2 =	vld [tilespmem:s0+$0x6010]  }
0x27: {  	v3 =	vld [tilespmem:s0+$0x6020]  }
0x28: {  	v4 =	vld [tilespmem:s0+$0x6030]  }
0x29: {  	v5 =	vld [tilespmem:s0+$0x6040]  }
0x2a: {  	v6 =	vld [tilespmem:s0+$0x6050]  }
0x2b: {  	v9 =	vld [tilespmem:s0+$0x6400]  }
0x2c: {  	v11 =	vld [tilespmem:s0+$0x6410];
	v0 =	vmul.f32 $2.560000040e+01, v0  }
0x2d: {  	v7 =	vld [tilespmem:s0+$0x6060];
	v1 =	vmul.f32 $2.560000040e+01, v1;
	v2 =	vmul.f32 $2.560000040e+01, v2  }
0x2e: {  	v8 =	vld [tilespmem:s0+$0x6070];
	v3 =	vmul.f32 $2.560000040e+01, v3;
	v4 =	vmul.f32 $2.560000040e+01, v4  }
0x2f: {  	v5 =	vmul.f32 $2.560000040e+01, v5;
	v54 =	vmul.f32 $2.560000040e+01, v6  }
0x30: {  	v9 =	vmul.f32 $2.560000040e+01, v9;
	v0 =	vadd.f32 $6.400000000e+01, v0;
	v1 =	vadd.f32 $6.400000000e+01, v1  }
0x31: {  	v11 =	vmul.f32 $2.560000040e+01, v11;
	v10 =	vadd.f32 $6.400000000e+01, v2;
	v17 =	vadd.f32 $6.400000000e+01, v4  }
0x32: {  	v12 =	vadd.f32 $6.400000000e+01, v3;
	v18 =	vadd.f32 $6.400000000e+01, v5;
	v4 =	vmul.f32 $2.560000040e+01, v7  }
0x33: {  	v55 =	vadd.f32 $6.400000000e+01, v54;
	v5 =	vmul.f32 $2.560000040e+01, v8;
	v53 =	vmax.f32 v0, $0.0e+00;
	[tilespmem:$0x1FFE0] =	vst v17  }
0x34: {  	v14 =	vmax.f32 v1, $0.0e+00;
	v15 =	vmax.f32 v10, $0.0e+00;
	v56 =	vadd.f32 $6.400000000e+01, v4;
	v6 =	vld [tilespmem:s0+$0x6420]  }
0x35: {  	v16 =	vmax.f32 v12, $0.0e+00;
	v4 =	vadd.f32 $6.400000000e+01, v5;
	v2 =	vmin.f32 v53, $1.270000000e+02;
	[tilespmem:$0x1FFF0] =	vst v18  }
0x36: {  	v17 =	vmax.f32 v17, $0.0e+00;
	v5 =	vadd.f32 $6.400000000e+01, v9;
	v2 =	vtrunc.f32 v2;
	v8 =	vld [tilespmem:s0+$0x6440]  }
0x37: {  	v9 =	vadd.f32 $6.400000000e+01, v11;
	v15 =	vmin.f32 v15, $1.270000000e+02;
	v7 =	vld [tilespmem:s0+$0x6430];
	v13 =	vcvt.f32.s32 v2  }
0x38: {  	v20 =	vmax.f32 v55, $0.0e+00;
	v16 =	vmin.f32 v16, $1.270000000e+02;
	v15 =	vtrunc.f32 v15  }
0x39: {  	v18 =	vmax.f32 v18, $0.0e+00;
	v19 =	vtrunc.f32 v16;
	v6 =	vmul.f32 $2.560000040e+01, v6  }
0x3a: {  	v17 =	vmin.f32 v17, $1.270000000e+02;
	v22 =	vcvt.f32.s32 v15;
	v25 =	vcvt.f32.s32 v19  }
0x3b: {  	s2 =	sshll.u32 s31, $0x7;
	[tilespmem:$0x1FF70] =	vst v55;
	v57 =	vadd.f32 $6.400000000e+01, v6;
	v6 =	vmul.f32 $2.560000040e+01, v8;
	v8 =	vmin.f32 v14, $1.270000000e+02  }
0x3c: {  	s17 =	sadd.s32 $0x3000, s2;
	[tilespmem:$0x1FF80] =	vst v56;
	v21 =	vmax.f32 v4, $0.0e+00;
	v7 =	vmul.f32 $2.560000040e+01, v7;
	v8 =	vtrunc.f32 v8  }
0x3d: {  	v14 =	vmax.f32 v56, $0.0e+00;
	v23 =	vcvt.f32.s32 v8;
	v8 =	vld.idx.msk [tilespmem:v13+s17+$0x0], $0xffff;
	[tilespmem:$0x1FF90] =	vst v4;
	v4 =	vadd.f32 $6.400000000e+01, v6  }
0x3e: {  	v58 =	vadd.f32 $6.400000000e+01, v7;
	v7 =	vmax.f32 v9, $0.0e+00;
	v14 =	vmin.f32 v14, $1.270000000e+02;
	[tilespmem:$0x1FFA0] =	vst v5  }
0x3f: {  	s19 =	simm.s32 $0x100;
	s6 =	simm.s32 $0x80;
	v26 =	vmax.f32 v57, $0.0e+00;
	v7 =	vmin.f32 v7, $1.270000000e+02;
	v14 =	vtrunc.f32 v14;
	[tilespmem:$0x1FFB0] =	vst v4  }
0x40: {  	s6 =	sand.u32 $0x380, s6;
	s5 =	sand.u32 $0x3800, s19;
	v27 =	vmax.f32 v58, $0.0e+00;
	v7 =	vtrunc.f32 v7;
	v2 =	vld.idx.msk [tilespmem:v13+s2+$0x0], $0xffff;
	v13 =	vmin.f32 v18, $1.270000000e+02  }
0x41: {  	s18 =	sor.u32 s6, s5;
	v18 =	vmin.f32 v20, $1.270000000e+02;
	v20 =	vmin.f32 v21, $1.270000000e+02;
	v21 =	vmin.f32 v26, $1.270000000e+02;
	v26 =	vld.idx.msk [tilespmem:v25+s17+$0x0], $0xffff  }
0x42: {  	v43 =	vcvt.f32.s32 v14;
	v27 =	vmin.f32 v27, $1.270000000e+02;
	v53 =	vcvt.f32.s32 v7;
	v29 =	vld [tilespmem:s18+$0x6450]  }
0x43: {  	v28 =	vmax.f32 v4, $0.0e+00;
	v30 =	vld [tilespmem:s18+$0x6000];
	v27 =	vtrunc.f32 v27;
	v13 =	vtrunc.f32 v13  }
0x44: {  	v28 =	vmin.f32 v28, $1.270000000e+02;
	v31 =	vld [tilespmem:s18+$0x6010];
	v18 =	vtrunc.f32 v18;
	v20 =	vtrunc.f32 v20  }
0x45: {  	v6 =	vmax.f32 v5, $0.0e+00;
	v14 =	vld [tilespmem:s18+$0x6040];
	v21 =	vtrunc.f32 v21;
	v28 =	vtrunc.f32 v28  }
0x46: {  	v59 =	vmin.f32 v6, $1.270000000e+02;
	v60 =	vld [tilespmem:s18+$0x6050];
	v55 =	vcvt.f32.s32 v27;
	v3 =	vmul.f32 v8, v0  }
0x47: {  	v7 =	vld [tilespmem:s18+$0x6060];
	v8 =	vtrunc.f32 v17;
	v0 =	vtrunc.f32 v59  }
0x48: {  	v17 =	vld.idx.msk [tilespmem:v22+s17+$0x0], $0xffff;
	v33 =	vcvt.f32.s32 v13;
	v42 =	vcvt.f32.s32 v18  }
0x49: {  	v13 =	vld [tilespmem:s18+$0x6030];
	v47 =	vcvt.f32.s32 v20;
	v54 =	vcvt.f32.s32 v21  }
0x4a: {  	v56 =	vcvt.f32.s32 v28;
	v6 =	vld.idx.msk [tilespmem:v23+s17+$0x0], $0xffff;
	v32 =	vcvt.f32.s32 v8  }
0x4b: {  	v8 =	vld [tilespmem:s18+$0x6020];
	v18 =	vmul.f32 $2.560000040e+01, v29;
	v29 =	vcvt.f32.s32 v0  }
0x4c: {  	v4 =	vmul.f32 v26, v12;
	v12 =	vmul.f32 $2.560000040e+01, v30  }
0x4d: {  	v7 =	vmul.f32 $2.560000040e+01, v7;
	v27 =	vadd.f32 $6.400000000e+01, v18;
	v5 =	vmul.f32 v17, v10  }
0x4e: {  	v39 =	vld [tilespmem:s18+$0x6440];
	v17 =	vmul.f32 $2.560000040e+01, v31;
	v21 =	vadd.f32 $6.400000000e+01, v12;
	v12 =	vmul.f32 $2.560000040e+01, v13  }
0x4f: {  	v26 =	vld [tilespmem:s18+$0x6410];
	v13 =	vmul.f32 $2.560000040e+01, v14;
	v14 =	vmul.f32 $2.560000040e+01, v60;
	v61 =	vmax.f32 v27, $0.0e+00  }
0x50: {  	v15 =	vmovc v57;
	v10 =	vld [tilespmem:s18+$0x6400];
	v57 =	vmul.f32 v6, v1;
	v8 =	vmul.f32 $2.560000040e+01, v8;
	v1 =	vmin.f32 v61, $1.270000000e+02  }
0x51: {  	v6 =	vld [tilespmem:s18+$0x6070];
	v20 =	vadd.f32 $6.400000000e+01, v17;
	v62 =	vadd.f32 $6.400000000e+01, v12;
	v1 =	vtrunc.f32 v1  }
0x52: {  	v28 =	vld [tilespmem:s18+$0x6420];
	v63 =	vadd.f32 $6.400000000e+01, v13;
	v12 =	vadd.f32 $6.400000000e+01, v14;
	v31 =	vcvt.f32.s32 v1  }
0x53: {  	v35 =	vld.idx.msk [tilespmem:v43+s17+$0x0], $0xffff;
	v41 =	vmax.f32 v21, $0.0e+00;
	v13 =	vadd.f32 $6.400000000e+01, v7;
	v18 =	vadd.f32 $6.400000000e+01, v8  }
0x54: {  	v30 =	vld [tilespmem:s18+$0x6430];
	v8 =	vmul.f32 $2.560000040e+01, v26;
	v61 =	vmin.f32 v41, $1.270000000e+02;
	v44 =	vmax.f32 v20, $0.0e+00  }
0x55: {  	v59 =	vld.idx.msk [tilespmem:v33+s17+$0x0], $0xffff;
	v26 =	vmax.f32 v62, $0.0e+00;
	v46 =	vmax.f32 v63, $0.0e+00;
	v61 =	vtrunc.f32 v61  }
0x56: {  	v34 =	vld.idx.msk [tilespmem:v42+s17+$0x0], $0xffff;
	v48 =	vmax.f32 v13, $0.0e+00;
	v7 =	vmul.f32 $2.560000040e+01, v10;
	v6 =	vmul.f32 $2.560000040e+01, v6  }
0x57: {  	v16 =	vmovc v58;
	v58 =	vld.idx.msk [tilespmem:v32+s17+$0x0], $0xffff;
	[tilespmem:$0x1FFC0] =	vst v62;
	v45 =	vmax.f32 v18, $0.0e+00;
	v10 =	vmul.f32 $2.560000040e+01, v39;
	v44 =	vmin.f32 v44, $1.270000000e+02  }
0x58: {  	v26 =	vmin.f32 v26, $1.270000000e+02;
	v17 =	vadd.f32 $6.400000000e+01, v6;
	v6 =	vmul.f32 $2.560000040e+01, v28;
	v28 =	vld.idx.msk [tilespmem:v31+s17+$0x0], $0xffff;
	[tilespmem:$0x1FFD0] =	vst v63  }
0x59: {  	v19 =	vmin.f32 v46, $1.270000000e+02;
	v45 =	vmin.f32 v45, $1.270000000e+02;
	v26 =	vtrunc.f32 v26;
	v37 =	vld.idx.msk [tilespmem:v47+s17+$0x0], $0xffff  }
0x5a: {  	v14 =	vadd.f32 $6.400000000e+01, v7;
	v7 =	vadd.f32 $6.400000000e+01, v8;
	v8 =	vmul.f32 $2.560000040e+01, v30;
	v31 =	vld.idx.msk [tilespmem:v31+s2+$0x0], $0xffff  }
0x5b: {  	v19 =	vtrunc.f32 v19;
	v30 =	vmax.f32 v12, $0.0e+00;
	v10 =	vadd.f32 $6.400000000e+01, v10;
	v39 =	vld.idx.msk [tilespmem:v29+s17+$0x0], $0xffff  }
0x5c: {  	v30 =	vmin.f32 v30, $1.270000000e+02;
	v8 =	vadd.f32 $6.400000000e+01, v8;
	v52 =	vmax.f32 v14, $0.0e+00;
	v40 =	vld.idx.msk [tilespmem:v53+s17+$0x0], $0xffff  }
0x5d: {  	v60 =	vmax.f32 v7, $0.0e+00;
	v6 =	vadd.f32 $6.400000000e+01, v6;
	v49 =	vmax.f32 v17, $0.0e+00;
	v41 =	vld.idx.msk [tilespmem:v54+s17+$0x0], $0xffff  }
0x5e: {  	v36 =	vmin.f32 v52, $1.270000000e+02;
	v52 =	vtrunc.f32 v45;
	v38 =	vmin.f32 v60, $1.270000000e+02;
	v24 =	vld.idx.msk [tilespmem:v23+s2+$0x0], $0xffff  }
0x5f: {  	v60 =	vtrunc.f32 v30;
	v63 =	vmax.f32 v8, $0.0e+00;
	v49 =	vmin.f32 v49, $1.270000000e+02;
	v51 =	vld.idx.msk [tilespmem:v25+s2+$0x0], $0xffff  }
0x60: {  	v62 =	vmax.f32 v6, $0.0e+00;
	v50 =	vld.idx.msk [tilespmem:v22+s2+$0x0], $0xffff;
	v22 =	vmin.f32 v48, $1.270000000e+02;
	v23 =	vtrunc.f32 v44  }
0x61: {  	v48 =	vld.idx.msk [tilespmem:v32+s2+$0x0], $0xffff;
	v30 =	vmin.f32 v62, $1.270000000e+02;
	v62 =	vtrunc.f32 v49;
	v49 =	vmin.f32 v63, $1.270000000e+02  }
0x62: {  	v25 =	vtrunc.f32 v38;
	v38 =	vtrunc.f32 v49;
	v49 =	vld.idx.msk [tilespmem:v29+s2+$0x0], $0xffff;
	v29 =	vadd.f32 v3, v2  }
0x63: {  	v46 =	vld.idx.msk [tilespmem:v33+s2+$0x0], $0xffff;
	v22 =	vtrunc.f32 v22;
	v27 =	vmul.f32 v28, v27  }
0x64: {  	v45 =	vld.idx.msk [tilespmem:v42+s2+$0x0], $0xffff;
	v28 =	vmax.f32 v10, $0.0e+00;
	[tilespmem:s0+$0x10C50] =	vst v29;
	v29 =	vcvt.f32.s32 v60;
	v60 =	vadd.f32 v4, v51  }
0x65: {  	v44 =	vld.idx.msk [tilespmem:v43+s2+$0x0], $0xffff;
	v33 =	vcvt.f32.s32 v23;
	v28 =	vmin.f32 v28, $1.270000000e+02;
	v23 =	vadd.f32 v27, v31  }
0x66: {  	v47 =	vld.idx.msk [tilespmem:v47+s2+$0x0], $0xffff;
	v1 =	vtrunc.f32 v28;
	v28 =	vcvt.f32.s32 v19;
	v19 =	vadd.f32 v57, v24;
	[tilespmem:s0+$0x10820] =	vst v60  }
0x67: {  	v42 =	vld.idx.msk [tilespmem:v55+s17+$0x0], $0xffff;
	v31 =	vcvt.f32.s32 v26;
	v26 =	vcvt.f32.s32 v22;
	v22 =	vadd.f32 v5, v50;
	[tilespmem:s18+$0x10C50] =	vst v23  }
0x68: {  	v0 =	vtrunc.f32 v36;
	v32 =	vcvt.f32.s32 v61;
	v43 =	vld.idx.msk [tilespmem:v56+s17+$0x0], $0xffff;
	[tilespmem:s0+$0x10800] =	vst v19  }
0x69: {  	v36 =	vtrunc.f32 v30;
	v30 =	vcvt.f32.s32 v52;
	v52 =	vld.idx.msk [tilespmem:v53+s2+$0x0], $0xffff;
	[tilespmem:s0+$0x10810] =	vst v22  }
0x6a: {  	v27 =	vcvt.f32.s32 v62;
	v62 =	vld [tilespmem:$0x1FFE0]  }
0x6b: {  	v63 =	vld [tilespmem:$0x1FFF0]  }
0x6c: {  	v53 =	vld.idx.msk [tilespmem:v54+s2+$0x0], $0xffff  }
0x6d: {  	s29 =	smul.u32 $0xA8, s28;
	v25 =	vcvt.f32.s32 v25;
	v54 =	vld.idx.msk [tilespmem:v55+s2+$0x0], $0xffff  }
0x6e: {  	s30 =	smul.u32 $0x3, s28;
	v55 =	vld.idx.msk [tilespmem:v56+s2+$0x0], $0xffff;
	v24 =	vcvt.f32.s32 v0;
	v23 =	vcvt.f32.s32 v36  }
0x6f: {  	s20 =	simm.s32 $0x200;
	s19 =	sadd.s32 s7, s29;
	s5 =	simm.s32 $0x100;
	v56 =	vld.idx.msk [tilespmem:v32+s17+$0x0], $0xffff;
	v22 =	vcvt.f32.s32 v38;
	v19 =	vcvt.f32.s32 v1  }
0x70: {  	s6 =	sand.u32 $0x3800, s20;
	s20 =	simm.s32 $0x300;
	s10 =	sand.u32 $0x380, s5;
	v11 =	vmov v9;
	v57 =	vld.idx.msk [tilespmem:v33+s17+$0x0], $0xffff;
	v58 =	vmul.f32 v58, v62;
	v36 =	vmul.f32 v59, v63  }
.LBB2_3:
0x71: {  	v50 =	vld.idx.msk [tilespmem:v30+s17+$0x0], $0xffff  }
0x72: {  	v0 =	vld [tilespmem:$0x1FF70]  }
0x73: {  	v38 =	vld [tilespmem:$0x1FF80]  }
0x74: {  	v59 =	vld [tilespmem:$0x1FF90]  }
0x75: {  	v60 =	vld [tilespmem:$0x1FFA0]  }
0x76: {  	v62 =	vld [tilespmem:$0x1FFB0]  }
0x77: {  	v32 =	vld.idx.msk [tilespmem:v32+s2+$0x0], $0xffff  }
0x78: {  	s6 =	sor.u32 s10, s6;
	v33 =	vld.idx.msk [tilespmem:v33+s2+$0x0], $0xffff  }
0x79: {  	v2 =	vmov v12;
	v51 =	vmov v13;
	v12 =	vld [tilespmem:s6+$0x6450];
	v9 =	vmul.f32 v40, v11  }
0x7a: {  	v1 =	vmovc v17;
	v17 =	vld [tilespmem:s6+$0x6000];
	v13 =	vadd.f32 v58, v48;
	v11 =	vmul.f32 v41, v15;
	v15 =	vmul.f32 v42, v16  }
0x7b: {  	v61 =	vmov v14;
	v14 =	vld [tilespmem:s6+$0x6010];
	v34 =	vmul.f32 v34, v0;
	v35 =	vmul.f32 v35, v38  }
0x7c: {  	v63 =	vld [tilespmem:s6+$0x6020];
	v37 =	vmul.f32 v37, v59;
	v39 =	vmul.f32 v39, v60;
	v38 =	vadd.f32 v36, v46;
	[tilespmem:s0+$0x10830] =	vst v13  }
0x7d: {  	v16 =	vmul.f32 v43, v62;
	v36 =	vmul.f32 v56, v21;
	v58 =	vld.idx.msk [tilespmem:v31+s17+$0x0], $0xffff;
	v13 =	vadd.f32 v34, v45  }
0x7e: {  	v12 =	vmul.f32 $2.560000040e+01, v12;
	v48 =	vld.idx.msk [tilespmem:v31+s2+$0x0], $0xffff;
	[tilespmem:s0+$0x10840] =	vst v38;
	v21 =	vadd.f32 v35, v44;
	v45 =	vadd.f32 v37, v47  }
0x7f: {  	v46 =	vld [tilespmem:s6+$0x6030];
	v38 =	vmul.f32 v57, v20;
	v20 =	vadd.f32 v9, v52;
	v52 =	vadd.f32 v15, v54;
	[tilespmem:s0+$0x10850] =	vst v13  }
0x80: {  	v15 =	vmovc v6;
	v6 =	vmul.f32 $2.560000040e+01, v14;
	v42 =	vadd.f32 $6.400000000e+01, v12;
	v59 =	vld.idx.msk [tilespmem:v28+s17+$0x0], $0xffff;
	v13 =	vadd.f32 v39, v49;
	[tilespmem:s0+$0x10860] =	vst v21  }
0x81: {  	v47 =	vld [tilespmem:s6+$0x6040];
	v49 =	vmul.f32 v50, v18;
	v18 =	vadd.f32 v11, v53;
	v11 =	vmovc v7;
	v7 =	vmul.f32 $2.560000040e+01, v17;
	[tilespmem:s0+$0x10870] =	vst v45  }
0x82: {  	v53 =	vadd.f32 v16, v55;
	[tilespmem:s0+$0x10C10] =	vst v20;
	v17 =	vld [tilespmem:s6+$0x6050]  }
0x83: {  	[tilespmem:s0+$0x10C30] =	vst v52;
	v14 =	vld [tilespmem:s6+$0x6060];
	v20 =	vadd.f32 $6.400000000e+01, v6;
	v12 =	vmax.f32 v42, $0.0e+00;
	v21 =	vadd.f32 $6.400000000e+01, v7  }
0x84: {  	v16 =	vmovc v8;
	v8 =	vld [tilespmem:s6+$0x6070];
	[tilespmem:s0+$0x10C00] =	vst v13;
	v7 =	vmul.f32 $2.560000040e+01, v63;
	v6 =	vmul.f32 $2.560000040e+01, v46;
	v12 =	vmin.f32 v12, $1.270000000e+02  }
0x85: {  	v54 =	vmov v10;
	[tilespmem:s0+$0x10C20] =	vst v18;
	v10 =	vld [tilespmem:s6+$0x6400];
	v12 =	vtrunc.f32 v12;
	v41 =	vmax.f32 v20, $0.0e+00  }
0x86: {  	[tilespmem:s0+$0x10C40] =	vst v53;
	s0 =	smov.u32 s18;
	s18 =	smov.u32 s6;
	v60 =	vld [tilespmem:s6+$0x6420];
	v18 =	vadd.f32 $6.400000000e+01, v7;
	v7 =	vmul.f32 $2.560000040e+01, v47;
	v50 =	vadd.f32 $6.400000000e+01, v6  }
0x87: {  	[tilespmem:$0x1FFA0] =	vst v61;
	v61 =	vld [tilespmem:s18+$0x6430];
	v62 =	vcvt.f32.s32 v12;
	v63 =	vmax.f32 v21, $0.0e+00;
	v6 =	vmul.f32 $2.560000040e+01, v17  }
0x88: {  	[tilespmem:$0x1FF80] =	vst v51;
	v55 =	vld [tilespmem:s6+$0x6410];
	v51 =	vadd.f32 $6.400000000e+01, v7;
	v7 =	vmul.f32 $2.560000040e+01, v14;
	v0 =	vmax.f32 v50, $0.0e+00  }
0x89: {  	v34 =	vld.idx.msk [tilespmem:v29+s17+$0x0], $0xffff;
	v56 =	vmin.f32 v63, $1.270000000e+02;
	v43 =	vmax.f32 v18, $0.0e+00;
	v44 =	vmin.f32 v0, $1.270000000e+02  }
0x8a: {  	v35 =	vld.idx.msk [tilespmem:v26+s17+$0x0], $0xffff;
	v12 =	vadd.f32 $6.400000000e+01, v6;
	v6 =	vmul.f32 $2.560000040e+01, v8;
	v13 =	vadd.f32 $6.400000000e+01, v7  }
0x8b: {  	[tilespmem:$0x1FF90] =	vst v1;
	v40 =	vld.idx.msk [tilespmem:v25+s17+$0x0], $0xffff;
	v7 =	vmul.f32 $2.560000040e+01, v10;
	v10 =	vmul.f32 $2.560000040e+01, v60;
	v1 =	vmax.f32 v51, $0.0e+00  }
0x8c: {  	v8 =	vld [tilespmem:s18+$0x6440];
	v37 =	vmul.f32 $2.560000040e+01, v61;
	v61 =	vmin.f32 v41, $1.270000000e+02;
	v45 =	vmin.f32 v1, $1.270000000e+02  }
0x8d: {  	v17 =	vadd.f32 $6.400000000e+01, v6;
	v6 =	vmul.f32 $2.560000040e+01, v55;
	v14 =	vadd.f32 $6.400000000e+01, v7;
	v47 =	vld.idx.msk [tilespmem:v62+s17+$0x0], $0xffff  }
0x8e: {  	[tilespmem:$0x1FF70] =	vst v2;
	v2 =	vmax.f32 v12, $0.0e+00;
	v3 =	vmax.f32 v13, $0.0e+00;
	v55 =	vld.idx.msk [tilespmem:v62+s2+$0x0], $0xffff;
	v62 =	vmin.f32 v43, $1.270000000e+02  }
0x8f: {  	v39 =	vld.idx.msk [tilespmem:v24+s17+$0x0], $0xffff;
	v46 =	vmin.f32 v2, $1.270000000e+02;
	v0 =	vmin.f32 v3, $1.270000000e+02;
	v2 =	vtrunc.f32 v45  }
0x90: {  	v1 =	vld.idx.msk [tilespmem:v30+s2+$0x0], $0xffff;
	v7 =	vadd.f32 $6.400000000e+01, v6;
	v6 =	vadd.f32 $6.400000000e+01, v10;
	v52 =	vmax.f32 v17, $0.0e+00  }
0x91: {  	v41 =	vld.idx.msk [tilespmem:v23+s17+$0x0], $0xffff;
	v53 =	vmax.f32 v14, $0.0e+00;
	v3 =	vtrunc.f32 v46;
	v0 =	vtrunc.f32 v0  }
0x92: {  	v46 =	vld.idx.msk [tilespmem:v28+s2+$0x0], $0xffff;
	v28 =	vadd.f32 v36, v32;
	v10 =	vmul.f32 $2.560000040e+01, v8;
	v8 =	vadd.f32 $6.400000000e+01, v37  }
0x93: {  	v45 =	vld.idx.msk [tilespmem:v29+s2+$0x0], $0xffff;
	v52 =	vmin.f32 v52, $1.270000000e+02;
	v53 =	vmin.f32 v53, $1.270000000e+02;
	v29 =	vcvt.f32.s32 v3  }
0x94: {  	[tilespmem:$0x1FFB0] =	vst v54;
	v43 =	vld.idx.msk [tilespmem:v19+s17+$0x0], $0xffff;
	v54 =	vmax.f32 v7, $0.0e+00;
	v57 =	vmax.f32 v6, $0.0e+00;
	v4 =	vtrunc.f32 v52  }
0x95: {  	v37 =	vld.idx.msk [tilespmem:v27+s17+$0x0], $0xffff;
	v5 =	vtrunc.f32 v53;
	[tilespmem:s0+$0x10800] =	vst v28;
	v1 =	vadd.f32 v49, v1;
	v28 =	vcvt.f32.s32 v2  }
0x96: {  	v49 =	vld.idx.msk [tilespmem:v24+s2+$0x0], $0xffff;
	v10 =	vadd.f32 $6.400000000e+01, v10;
	v47 =	vmul.f32 v47, v42;
	v54 =	vmin.f32 v54, $1.270000000e+02  }
0x97: {  	v52 =	vld.idx.msk [tilespmem:v25+s2+$0x0], $0xffff;
	v60 =	vmax.f32 v8, $0.0e+00;
	v57 =	vmin.f32 v57, $1.270000000e+02;
	v9 =	vtrunc.f32 v54  }
0x98: {  	v42 =	vld.idx.msk [tilespmem:v22+s17+$0x0], $0xffff;
	v47 =	vadd.f32 v47, v55;
	v55 =	vtrunc.f32 v56;
	v56 =	vtrunc.f32 v61  }
0x99: {  	v60 =	vmin.f32 v60, $1.270000000e+02;
	v54 =	vld.idx.msk [tilespmem:v22+s2+$0x0], $0xffff;
	v61 =	vtrunc.f32 v62;
	v62 =	vtrunc.f32 v44  }
0x9a: {  	v63 =	vmax.f32 v10, $0.0e+00;
	v60 =	vtrunc.f32 v60;
	v44 =	vld.idx.msk [tilespmem:v26+s2+$0x0], $0xffff;
	v32 =	vcvt.f32.s32 v55  }
0x9b: {  	v26 =	vadd.f32 v38, v33;
	v33 =	vcvt.f32.s32 v56;
	v22 =	vcvt.f32.s32 v60;
	v60 =	vld [tilespmem:$0x1FFC0]  }
0x9c: {  	p0 =	sne.s32 s20, $0x3700;
	v24 =	vcvt.f32.s32 v5;
	v63 =	vmin.f32 v63, $1.270000000e+02;
	v30 =	vcvt.f32.s32 v61;
	v61 =	vld [tilespmem:$0x1FFD0]  }
.Ltmp0:
0x9d: {  	v53 =	vld.idx.msk [tilespmem:v23+s2+$0x0], $0xffff;
	v57 =	vtrunc.f32 v57;
	[tilespmem:s0+$0x10820] =	vst v1;
	v63 =	vtrunc.f32 v63;
	(pc) =	sbr.rel @p0 .LBB2_3-.Ltmp0, $4  }
0x9e: {  	v25 =	vcvt.f32.s32 v9;
	v23 =	vcvt.f32.s32 v57;
	v55 =	vld.idx.msk [tilespmem:v19+s2+$0x0], $0xffff;
	[tilespmem:s18+$0x10C50] =	vst v47  }
0x9f: {  	v31 =	vcvt.f32.s32 v62;
	v47 =	vld.idx.msk [tilespmem:v27+s2+$0x0], $0xffff;
	[tilespmem:s0+$0x10810] =	vst v26;
	v26 =	vcvt.f32.s32 v0;
	v62 =	vmov v50  }
0xa0: {  	s5 =	sadd.s32 $0x80, s5;
	v27 =	vcvt.f32.s32 v4;
	v19 =	vcvt.f32.s32 v63;
	[tilespmem:$0x1FFC0] =	vst v62;
	v63 =	vmov v51;
	v56 =	vld.idx.msk [tilespmem:v32+s17+$0x0], $0xffff  }
0xa1: {  	s10 =	sand.u32 $0x380, s5;
	s6 =	sand.u32 $0x3800, s20;
	s20 =	sadd.s32 $0x100, s20;
	v58 =	vmul.f32 v58, v60;
	v36 =	vmul.f32 v59, v61;
	[tilespmem:$0x1FFD0] =	vst v63;
	v57 =	vld.idx.msk [tilespmem:v33+s17+$0x0], $0xffff  }
0xa2: {  	_ =	sdelay $0x3  }
0xa3: {  	v0 =	vld.idx.msk [tilespmem:v30+s17+$0x0], $0xffff  }
0xa4: {  	s20 =	sor.u32 s10, s6;
	v61 =	vld [tilespmem:$0x1FF70]  }
0xa5: {  	v1 =	vld [tilespmem:s20+$0x6450]  }
0xa6: {  	v62 =	vld [tilespmem:$0x1FF90]  }
0xa7: {  	v2 =	vld [tilespmem:s20+$0x6000]  }
0xa8: {  	v3 =	vld [tilespmem:s20+$0x6010]  }
0xa9: {  	v4 =	vld [tilespmem:s20+$0x6020]  }
0xaa: {  	v5 =	vld [tilespmem:s20+$0x6030];
	v1 =	vmul.f32 $2.560000040e+01, v1  }
0xab: {  	v9 =	vld [tilespmem:s20+$0x6040]  }
0xac: {  	v48 =	vadd.f32 v58, v48;
	v58 =	vld [tilespmem:$0x1FFA0];
	v1 =	vadd.f32 $6.400000000e+01, v1  }
0xad: {  	v50 =	vld [tilespmem:s20+$0x6050]  }
0xae: {  	v51 =	vld [tilespmem:s20+$0x6060];
	v38 =	vmax.f32 v1, $0.0e+00  }
0xaf: {  	v59 =	vld [tilespmem:s20+$0x6070];
	v34 =	vmul.f32 v34, v61;
	v38 =	vmin.f32 v38, $1.270000000e+02  }
0xb0: {  	v61 =	vld [tilespmem:$0x1FF80];
	v62 =	vmul.f32 v37, v62;
	v37 =	vtrunc.f32 v38  }
0xb1: {  	v60 =	vld [tilespmem:s20+$0x6400];
	v38 =	vmul.f32 v39, v58;
	v39 =	vmul.f32 v40, v11  }
0xb2: {  	v11 =	vmul.f32 v41, v15;
	v15 =	vmul.f32 v42, v16;
	v16 =	vld [tilespmem:$0x1FFB0]  }
0xb3: {  	v42 =	vmul.f32 v56, v21;
	v21 =	vld.idx.msk [tilespmem:v28+s17+$0x0], $0xffff  }
0xb4: {  	v63 =	vld [tilespmem:s20+$0x6420]  }
0xb5: {  	v35 =	vmul.f32 v35, v61;
	v61 =	vld [tilespmem:s20+$0x6410]  }
0xb6: {  	v41 =	vld [tilespmem:s20+$0x6440]  }
0xb7: {  	v40 =	vld.idx.msk [tilespmem:v31+s17+$0x0], $0xffff  }
0xb8: {  	v58 =	vcvt.f32.s32 v37;
	v37 =	vld [tilespmem:s20+$0x6430];
	v16 =	vmul.f32 v43, v16;
	[tilespmem:$0x1FEB0] =	vst v21  }
0xb9: {  	v43 =	vadd.f32 v35, v44;
	v44 =	vadd.f32 v62, v47;
	v47 =	vmul.f32 v57, v20;
	v20 =	vld.idx.msk [tilespmem:v29+s17+$0x0], $0xffff;
	_ =	sdelay $0x4  }
0xba: {  	[tilespmem:$0x1FEC0] =	vst v20  }
0xbb: {  	v53 =	vadd.f32 v11, v53;
	v11 =	vld.idx.msk [tilespmem:v26+s17+$0x0], $0xffff;
	_ =	sdelay $0x4  }
0xbc: {  	[tilespmem:$0x1FED0] =	vst v11  }
0xbd: {  	v54 =	vadd.f32 v15, v54;
	v15 =	vld.idx.msk [tilespmem:v58+s17+$0x0], $0xffff  }
0xbe: {  	v4 =	vmul.f32 $2.560000040e+01, v4;
	v56 =	vld.idx.msk [tilespmem:v27+s17+$0x0], $0xffff  }
0xbf: {  	v55 =	vadd.f32 v16, v55;
	v16 =	vld.idx.msk [tilespmem:v58+s2+$0x0], $0xffff  }
0xc0: {  	v20 =	vadd.f32 $6.400000000e+01, v4;
	v4 =	vmul.f32 $2.560000040e+01, v50;
	v50 =	vld.idx.msk [tilespmem:v24+s17+$0x0], $0xffff  }
0xc1: {  	v2 =	vmul.f32 $2.560000040e+01, v2;
	v57 =	vld.idx.msk [tilespmem:v25+s17+$0x0], $0xffff  }
0xc2: {  	v46 =	vadd.f32 v36, v46;
	v3 =	vmul.f32 $2.560000040e+01, v3;
	v45 =	vadd.f32 v34, v45;
	v32 =	vld.idx.msk [tilespmem:v32+s2+$0x0], $0xffff  }
0xc3: {  	v34 =	vadd.f32 $6.400000000e+01, v2;
	v62 =	vmul.f32 $2.560000040e+01, v5;
	v5 =	vmul.f32 $2.560000040e+01, v9;
	v33 =	vld.idx.msk [tilespmem:v33+s2+$0x0], $0xffff  }
0xc4: {  	v49 =	vadd.f32 v38, v49;
	v52 =	vadd.f32 v39, v52;
	v39 =	vmul.f32 v0, v18;
	v30 =	vld.idx.msk [tilespmem:v30+s2+$0x0], $0xffff  }
0xc5: {  	v18 =	vmul.f32 $2.560000040e+01, v59;
	v35 =	vadd.f32 $6.400000000e+01, v3;
	v38 =	vadd.f32 $6.400000000e+01, v5;
	v31 =	vld.idx.msk [tilespmem:v31+s2+$0x0], $0xffff  }
0xc6: {  	v5 =	vmul.f32 $2.560000040e+01, v51;
	v9 =	vadd.f32 $6.400000000e+01, v4;
	v59 =	vmax.f32 v20, $0.0e+00;
	v28 =	vld.idx.msk [tilespmem:v28+s2+$0x0], $0xffff  }
0xc7: {  	v4 =	vadd.f32 $6.400000000e+01, v18;
	v18 =	vmul.f32 $2.560000040e+01, v61;
	v61 =	vmax.f32 v38, $0.0e+00;
	v29 =	vld.idx.msk [tilespmem:v29+s2+$0x0], $0xffff  }
0xc8: {  	v21 =	vmul.f32 $2.560000040e+01, v60;
	v0 =	vmin.f32 v59, $1.270000000e+02;
	v59 =	vmin.f32 v61, $1.270000000e+02;
	v26 =	vld.idx.msk [tilespmem:v26+s2+$0x0], $0xffff;
	[tilespmem:s0+$0x10830] =	vst v48  }
0xc9: {  	v41 =	vmul.f32 $2.560000040e+01, v41;
	v11 =	vadd.f32 $6.400000000e+01, v5;
	v27 =	vld.idx.msk [tilespmem:v27+s2+$0x0], $0xffff;
	[tilespmem:s0+$0x10840] =	vst v46;
	v46 =	vtrunc.f32 v59  }
0xca: {  	v36 =	vadd.f32 $6.400000000e+01, v62;
	v5 =	vadd.f32 $6.400000000e+01, v21;
	v24 =	vld.idx.msk [tilespmem:v24+s2+$0x0], $0xffff;
	[tilespmem:s0+$0x10850] =	vst v45;
	v46 =	vcvt.f32.s32 v46  }
0xcb: {  	v21 =	vmul.f32 $2.560000040e+01, v63;
	v25 =	vld.idx.msk [tilespmem:v25+s2+$0x0], $0xffff;
	[tilespmem:s0+$0x10860] =	vst v43;
	v63 =	vmax.f32 v11, $0.0e+00;
	v1 =	vmul.f32 v15, v1  }
0xcc: {  	v60 =	vmax.f32 v36, $0.0e+00;
	v58 =	vmax.f32 v35, $0.0e+00;
	[tilespmem:s0+$0x10870] =	vst v44;
	v61 =	vmin.f32 v63, $1.270000000e+02;
	v63 =	vld.idx.msk [tilespmem:v23+s17+$0x0], $0xffff  }
0xcd: {  	[tilespmem:s0+$0x10C00] =	vst v49;
	v2 =	vmin.f32 v58, $1.270000000e+02;
	v58 =	vmin.f32 v60, $1.270000000e+02;
	v23 =	vld.idx.msk [tilespmem:v23+s2+$0x0], $0xffff;
	v3 =	vadd.f32 v1, v16  }
0xce: {  	[tilespmem:s0+$0x10C10] =	vst v52;
	v16 =	vadd.f32 $6.400000000e+01, v41;
	v41 =	vtrunc.f32 v2;
	v2 =	vtrunc.f32 v58;
	v58 =	vld.idx.msk [tilespmem:v22+s17+$0x0], $0xffff  }
0xcf: {  	v37 =	vmul.f32 $2.560000040e+01, v37;
	v51 =	vmax.f32 v34, $0.0e+00;
	v62 =	vmax.f32 v9, $0.0e+00;
	[tilespmem:s0+$0x10C20] =	vst v53;
	v22 =	vld.idx.msk [tilespmem:v22+s2+$0x0], $0xffff  }
0xd0: {  	[tilespmem:s0+$0x10C30] =	vst v54;
	v60 =	vmin.f32 v62, $1.270000000e+02;
	v15 =	vadd.f32 $6.400000000e+01, v18;
	v18 =	vadd.f32 $6.400000000e+01, v21;
	v54 =	vld.idx.msk [tilespmem:v46+s17+$0x0], $0xffff  }
0xd1: {  	[tilespmem:s0+$0x10C40] =	vst v55;
	v32 =	vadd.f32 v42, v32;
	v48 =	vcvt.f32.s32 v2;
	v2 =	vtrunc.f32 v60;
	v60 =	vld.idx.msk [tilespmem:v19+s17+$0x0], $0xffff  }
0xd2: {  	v21 =	vadd.f32 $6.400000000e+01, v37;
	v17 =	vmul.f32 v56, v17;
	v1 =	vmin.f32 v51, $1.270000000e+02;
	v19 =	vld.idx.msk [tilespmem:v19+s2+$0x0], $0xffff;
	[tilespmem:s20+$0x10C50] =	vst v3  }
0xd3: {  	v51 =	vtrunc.f32 v0;
	v41 =	vcvt.f32.s32 v41;
	v3 =	vadd.f32 v47, v33;
	v55 =	vld [tilespmem:$0x1FFC0];
	[tilespmem:s18+$0x10800] =	vst v32  }
0xd4: {  	v30 =	vadd.f32 v39, v30;
	v6 =	vmul.f32 v63, v6;
	v51 =	vcvt.f32.s32 v51;
	v32 =	vld [tilespmem:$0x1FFD0]  }
0xd5: {  	v14 =	vmul.f32 v50, v14;
	v7 =	vmul.f32 v57, v7;
	v17 =	vadd.f32 v17, v27;
	v47 =	vld [tilespmem:$0x1FEB0];
	[tilespmem:s18+$0x10810] =	vst v3  }
0xd6: {  	v37 =	vtrunc.f32 v1;
	v1 =	vmax.f32 v4, $0.0e+00;
	v6 =	vadd.f32 v6, v23;
	v3 =	vld [tilespmem:$0x1FEC0];
	[tilespmem:s18+$0x10820] =	vst v30  }
0xd7: {  	v62 =	vmin.f32 v1, $1.270000000e+02;
	v37 =	vcvt.f32.s32 v37;
	v1 =	vmax.f32 v15, $0.0e+00;
	v30 =	vld [tilespmem:$0x1FED0]  }
0xd8: {  	v45 =	vmin.f32 v1, $1.270000000e+02;
	v1 =	vtrunc.f32 v61;
	v61 =	vtrunc.f32 v62;
	[tilespmem:s18+$0x10C20] =	vst v6;
	v6 =	vld.idx.msk [tilespmem:v46+s2+$0x0], $0xffff  }
0xd9: {  	v43 =	vcvt.f32.s32 v1;
	v49 =	vcvt.f32.s32 v61;
	v61 =	vmax.f32 v21, $0.0e+00;
	v1 =	vld.idx.msk [tilespmem:v41+s17+$0x0], $0xffff  }
0xda: {  	v59 =	vcvt.f32.s32 v2;
	v2 =	vmax.f32 v18, $0.0e+00;
	v52 =	vmin.f32 v61, $1.270000000e+02;
	v61 =	vld.idx.msk [tilespmem:v51+s17+$0x0], $0xffff  }
0xdb: {  	v0 =	vmax.f32 v5, $0.0e+00;
	v14 =	vadd.f32 v14, v24;
	v44 =	vmin.f32 v2, $1.270000000e+02;
	v2 =	vld.idx.msk [tilespmem:v48+s17+$0x0], $0xffff  }
0xdc: {  	v7 =	vadd.f32 v7, v25;
	v0 =	vmin.f32 v0, $1.270000000e+02;
	[tilespmem:s18+$0x10870] =	vst v17;
	v17 =	vld.idx.msk [tilespmem:v41+s2+$0x0], $0xffff  }
0xdd: {  	v0 =	vtrunc.f32 v0;
	v53 =	vmax.f32 v16, $0.0e+00;
	v8 =	vmul.f32 v58, v8;
	[tilespmem:s18+$0x10C00] =	vst v14;
	v14 =	vld.idx.msk [tilespmem:v51+s2+$0x0], $0xffff  }
0xde: {  	v0 =	vcvt.f32.s32 v0;
	v53 =	vmin.f32 v53, $1.270000000e+02;
	[tilespmem:s18+$0x10C10] =	vst v7;
	v7 =	vld.idx.msk [tilespmem:v48+s2+$0x0], $0xffff  }
0xdf: {  	v45 =	vtrunc.f32 v45;
	v44 =	vtrunc.f32 v44;
	v8 =	vadd.f32 v8, v22;
	v62 =	vld.idx.msk [tilespmem:v37+s17+$0x0], $0xffff  }
0xe0: {  	v42 =	vtrunc.f32 v53;
	v45 =	vcvt.f32.s32 v45;
	v53 =	vld.idx.msk [tilespmem:v59+s17+$0x0], $0xffff  }
0xe1: {  	v44 =	vcvt.f32.s32 v44;
	v10 =	vmul.f32 v60, v10;
	[tilespmem:s18+$0x10C30] =	vst v8;
	v8 =	vld.idx.msk [tilespmem:v59+s2+$0x0], $0xffff  }
0xe2: {  	v33 =	vmul.f32 v40, v55;
	v40 =	vcvt.f32.s32 v42;
	v42 =	vld.idx.msk [tilespmem:v43+s17+$0x0], $0xffff  }
0xe3: {  	v10 =	vadd.f32 v10, v19;
	v55 =	vld.idx.msk [tilespmem:v49+s17+$0x0], $0xffff  }
0xe4: {  	v3 =	vmul.f32 v3, v12;
	v12 =	vadd.f32 v33, v31;
	v31 =	vld.idx.msk [tilespmem:v0+s17+$0x0], $0xffff  }
0xe5: {  	v32 =	vmul.f32 v47, v32;
	[tilespmem:s18+$0x10C40] =	vst v10;
	v10 =	vld.idx.msk [tilespmem:v43+s2+$0x0], $0xffff  }
0xe6: {  	v0 =	vld.idx.msk [tilespmem:v0+s2+$0x0], $0xffff;
	v13 =	vmul.f32 v30, v13  }
0xe7: {  	v28 =	vadd.f32 v32, v28;
	v30 =	vld.idx.msk [tilespmem:v45+s17+$0x0], $0xffff  }
0xe8: {  	v52 =	vtrunc.f32 v52;
	[tilespmem:s18+$0x10830] =	vst v12;
	v12 =	vld.idx.msk [tilespmem:v44+s17+$0x0], $0xffff;
	v13 =	vadd.f32 v13, v26  }
0xe9: {  	v52 =	vcvt.f32.s32 v52;
	v3 =	vadd.f32 v3, v29;
	v1 =	vmul.f32 v1, v35;
	[tilespmem:s18+$0x10840] =	vst v28;
	v33 =	vld.idx.msk [tilespmem:v40+s17+$0x0], $0xffff  }
0xea: {  	v2 =	vmul.f32 v2, v36;
	[tilespmem:s18+$0x10860] =	vst v13;
	v13 =	vld.idx.msk [tilespmem:v37+s2+$0x0], $0xffff  }
0xeb: {  	v35 =	vmul.f32 v53, v9;
	[tilespmem:s18+$0x10850] =	vst v3;
	v1 =	vadd.f32 v1, v17;
	v17 =	vld.idx.msk [tilespmem:v49+s2+$0x0], $0xffff  }
0xec: {  	v2 =	vadd.f32 v2, v7;
	v9 =	vmul.f32 v42, v11;
	v11 =	vld.idx.msk [tilespmem:v44+s2+$0x0], $0xffff;
	v5 =	vmul.f32 v31, v5  }
0xed: {  	v23 =	vmul.f32 v62, v34;
	[tilespmem:s20+$0x10810] =	vst v1;
	v1 =	vadd.f32 v35, v8;
	v8 =	vld.idx.msk [tilespmem:v40+s2+$0x0], $0xffff  }
0xee: {  	v19 =	vmul.f32 v61, v20;
	v4 =	vmul.f32 v55, v4;
	[tilespmem:s20+$0x10830] =	vst v2;
	v0 =	vadd.f32 v5, v0  }
0xef: {  	v26 =	vld.idx.msk [tilespmem:v52+s17+$0x0], $0xffff;
	v37 =	vmul.f32 v12, v18;
	[tilespmem:s20+$0x10850] =	vst v1;
	v13 =	vadd.f32 v23, v13  }
0xf0: {  	v36 =	vld.idx.msk [tilespmem:v52+s2+$0x0], $0xffff;
	v4 =	vadd.f32 v4, v17;
	v3 =	vmul.f32 v33, v16;
	[tilespmem:s20+$0x10C00] =	vst v0  }
0xf1: {  	v1 =	vadd.f32 v37, v11;
	[tilespmem:s20+$0x10800] =	vst v13;
	v13 =	vadd.f32 v19, v14;
	v14 =	vmul.f32 v54, v38  }
0xf2: {  	v7 =	vld.idx.msk [tilespmem:v45+s2+$0x0], $0xffff;
	[tilespmem:s20+$0x10870] =	vst v4;
	v39 =	vadd.f32 v3, v8  }
0xf3: {  	[tilespmem:s20+$0x10C20] =	vst v1;
	v6 =	vadd.f32 v14, v6  }
0xf4: {  	v5 =	vmul.f32 v26, v21;
	[tilespmem:s20+$0x10C40] =	vst v39  }
0xf5: {  	[tilespmem:s20+$0x10840] =	vst v6;
	v6 =	vadd.f32 v9, v10;
	v9 =	vmul.f32 v30, v15  }
0xf6: {  	v38 =	vadd.f32 v5, v36;
	[tilespmem:s20+$0x10820] =	vst v13  }
0xf7: {  	[tilespmem:s20+$0x10860] =	vst v6;
	v6 =	vadd.f32 v9, v7  }
0xf8: {  	s10 =	sshll.u32 s19, $0x5;
	[tilespmem:s20+$0x10C30] =	vst v38  }
0xf9: {  	p0 =	seq.s32 s28, $0x1F;
	s0 =	sadd.s32 s3, s10;
	[tilespmem:s20+$0x10C10] =	vst v6  }
0xfa: {  	[hbm4b:s0+s4] =	stream.linear.scatter [tilespmem:s22], [sflag:$0x3], $0x3800, $0x38;
	[tilespmem:$0x1B000] =	vst v63  }
0xfb: {  	s0 =	sadd.s32 @!p0 s29, s12  }
0xfc: {  	s0 =	sshll.u32 @!p0 s0, $0x5  }
0xfd: {  	s5 =	simm.s32 @!p0 $0x6000;
	s2 =	simm.s32 @!p0 $0x0;
	s0 =	sadd.s32 @!p0 s1, s0  }
0xfe: {  	[tilespmem:s5], [sflag:$0x2] =	stream.linear.gather @!p0 [hbm4b:s0+s2], $0x3800, $0x38;
	[tilespmem:$0x1B000] =	vst v63  }
0xff: {  	_ =	swait.ge [sflag:s21], $0x3800  }
0x100: {  	[sflag:s21] =	ssyncset.done $0x0  }
0x101: {  	s0 =	simm.s32 @!p1 $0x3;
	[sflag:s21] =	ssyncadd.s32 $0xFFFFC800  }
0x102: {  	s11 =	simm.s32 $0x0;
	_ =	swait.ge @!p1 [sflag:s0], $0x3800  }
0x103: {  	s17 =	sand.u32 $0x3800, s11;
	s2 =	sand.u32 $0x380, s11;
	[sflag:s0] =	ssyncset.done @!p1 $0x0  }
0x104: {  	[sflag:s0] =	ssyncadd.s32 @!p1 $0xFFFFC800;
	s0 =	sor.u32 s2, s17  }
0x105: {  	v40 =	vld [tilespmem:s0+$0x9C50]  }
0x106: {  	v41 =	vld [tilespmem:s0+$0x9800]  }
0x107: {  	v42 =	vld [tilespmem:s0+$0x9810]  }
0x108: {  	v43 =	vld [tilespmem:s0+$0x9820]  }
0x109: {  	v4 =	vld [tilespmem:s0+$0x9830]  }
0x10a: {  	v5 =	vld [tilespmem:s0+$0x9840]  }
0x10b: {  	v6 =	vld [tilespmem:s0+$0x9850]  }
0x10c: {  	v9 =	vld [tilespmem:s0+$0x9C00]  }
0x10d: {  	v11 =	vld [tilespmem:s0+$0x9C10];
	v0 =	vmul.f32 $2.560000040e+01, v40  }
0x10e: {  	v7 =	vld [tilespmem:s0+$0x9860];
	v1 =	vmul.f32 $2.560000040e+01, v41;
	v2 =	vmul.f32 $2.560000040e+01, v42  }
0x10f: {  	v8 =	vld [tilespmem:s0+$0x9870];
	v3 =	vmul.f32 $2.560000040e+01, v43;
	v4 =	vmul.f32 $2.560000040e+01, v4  }
0x110: {  	v5 =	vmul.f32 $2.560000040e+01, v5;
	v45 =	vmul.f32 $2.560000040e+01, v6;
	v0 =	vadd.f32 $6.400000000e+01, v0  }
0x111: {  	v9 =	vmul.f32 $2.560000040e+01, v9;
	v1 =	vadd.f32 $6.400000000e+01, v1;
	v10 =	vadd.f32 $6.400000000e+01, v2  }
0x112: {  	v11 =	vmul.f32 $2.560000040e+01, v11;
	v12 =	vadd.f32 $6.400000000e+01, v3;
	v17 =	vadd.f32 $6.400000000e+01, v4  }
0x113: {  	v18 =	vadd.f32 $6.400000000e+01, v5;
	v4 =	vmul.f32 $2.560000040e+01, v7;
	v46 =	vadd.f32 $6.400000000e+01, v45  }
0x114: {  	v5 =	vmul.f32 $2.560000040e+01, v8;
	v44 =	vmax.f32 v0, $0.0e+00;
	[tilespmem:$0x1FF50] =	vst v17;
	v14 =	vmax.f32 v1, $0.0e+00  }
0x115: {  	v15 =	vmax.f32 v10, $0.0e+00;
	v47 =	vadd.f32 $6.400000000e+01, v4;
	v16 =	vmax.f32 v12, $0.0e+00;
	v6 =	vld [tilespmem:s0+$0x9C20];
	[tilespmem:$0x1FF60] =	vst v18  }
0x116: {  	s18 =	sand.u32 $0x3, s30;
	v4 =	vadd.f32 $6.400000000e+01, v5;
	v17 =	vmax.f32 v17, $0.0e+00;
	v2 =	vmin.f32 v44, $1.270000000e+02;
	v7 =	vld [tilespmem:s0+$0x9C30]  }
0x117: {  	p2 =	seq.s32 s18, $0x3;
	s2 =	simm.s32 $0x1;
	v5 =	vadd.f32 $6.400000000e+01, v9;
	v9 =	vadd.f32 $6.400000000e+01, v11;
	v2 =	vtrunc.f32 v2;
	v8 =	vld [tilespmem:s0+$0x9C40]  }
0x118: {  	s2 =	simm.s32 @!p2 $0x0;
	v15 =	vmin.f32 v15, $1.270000000e+02;
	v16 =	vmin.f32 v16, $1.270000000e+02;
	v13 =	vcvt.f32.s32 v2  }
0x119: {  	s31 =	sadd.s32 s2, s31;
	v20 =	vmax.f32 v46, $0.0e+00;
	v15 =	vtrunc.f32 v15;
	v19 =	vtrunc.f32 v16  }
0x11a: {  	p2 =	sgt.s32 s31, $0x5F;
	s2 =	sadd.s32 $0xFFFFFFA0, s31;
	v18 =	vmax.f32 v18, $0.0e+00;
	v22 =	vcvt.f32.s32 v15;
	v6 =	vmul.f32 $2.560000040e+01, v6  }
0x11b: {  	s31 =	smov.u32 @p2 s2;
	v21 =	vmax.f32 v4, $0.0e+00;
	v25 =	vcvt.f32.s32 v19;
	v7 =	vmul.f32 $2.560000040e+01, v7  }
0x11c: {  	s2 =	sshll.u32 s31, $0x7;
	[tilespmem:$0x1FEE0] =	vst v46;
	v48 =	vadd.f32 $6.400000000e+01, v6;
	v6 =	vmul.f32 $2.560000040e+01, v8;
	v8 =	vmin.f32 v14, $1.270000000e+02  }
0x11d: {  	s17 =	sadd.s32 $0x3000, s2;
	[tilespmem:$0x1FEF0] =	vst v47;
	v14 =	vmax.f32 v47, $0.0e+00;
	v8 =	vtrunc.f32 v8;
	v49 =	vadd.f32 $6.400000000e+01, v7  }
0x11e: {  	v7 =	vmax.f32 v9, $0.0e+00;
	v23 =	vcvt.f32.s32 v8;
	v8 =	vld.idx.msk [tilespmem:v13+s17+$0x0], $0xffff;
	[tilespmem:$0x1FF00] =	vst v4;
	v4 =	vadd.f32 $6.400000000e+01, v6  }
0x11f: {  	v14 =	vmin.f32 v14, $1.270000000e+02;
	[tilespmem:$0x1FF10] =	vst v5;
	v26 =	vmax.f32 v48, $0.0e+00;
	v7 =	vmin.f32 v7, $1.270000000e+02  }
0x120: {  	s19 =	simm.s32 $0x100;
	s20 =	simm.s32 $0x80;
	v14 =	vtrunc.f32 v14;
	v27 =	vmax.f32 v49, $0.0e+00;
	v7 =	vtrunc.f32 v7;
	[tilespmem:$0x1FF20] =	vst v4  }
0x121: {  	s6 =	sand.u32 $0x380, s20;
	s5 =	sand.u32 $0x3800, s19;
	v43 =	vcvt.f32.s32 v14;
	v27 =	vmin.f32 v27, $1.270000000e+02;
	v2 =	vld.idx.msk [tilespmem:v13+s2+$0x0], $0xffff;
	v13 =	vmin.f32 v18, $1.270000000e+02  }
0x122: {  	s18 =	sor.u32 s6, s5;
	v18 =	vmin.f32 v20, $1.270000000e+02;
	v20 =	vmin.f32 v21, $1.270000000e+02;
	v21 =	vmin.f32 v26, $1.270000000e+02;
	v26 =	vld.idx.msk [tilespmem:v25+s17+$0x0], $0xffff  }
0x123: {  	v17 =	vmin.f32 v17, $1.270000000e+02;
	v53 =	vcvt.f32.s32 v7;
	v29 =	vld [tilespmem:s18+$0x9C50];
	v27 =	vtrunc.f32 v27  }
0x124: {  	v28 =	vmax.f32 v4, $0.0e+00;
	v30 =	vld [tilespmem:s18+$0x9800];
	v13 =	vtrunc.f32 v13;
	v18 =	vtrunc.f32 v18  }
0x125: {  	v28 =	vmin.f32 v28, $1.270000000e+02;
	v31 =	vld [tilespmem:s18+$0x9810];
	v20 =	vtrunc.f32 v20;
	v21 =	vtrunc.f32 v21  }
0x126: {  	v6 =	vmax.f32 v5, $0.0e+00;
	v14 =	vld [tilespmem:s18+$0x9840];
	v28 =	vtrunc.f32 v28;
	v55 =	vcvt.f32.s32 v27  }
0x127: {  	v50 =	vmin.f32 v6, $1.270000000e+02;
	v51 =	vld [tilespmem:s18+$0x9850];
	v3 =	vmul.f32 v8, v0;
	v8 =	vtrunc.f32 v17  }
0x128: {  	v7 =	vld [tilespmem:s18+$0x9860];
	v0 =	vtrunc.f32 v50;
	v33 =	vcvt.f32.s32 v13  }
0x129: {  	v17 =	vld.idx.msk [tilespmem:v22+s17+$0x0], $0xffff;
	v42 =	vcvt.f32.s32 v18;
	v47 =	vcvt.f32.s32 v20  }
0x12a: {  	v13 =	vld [tilespmem:s18+$0x9830];
	v54 =	vcvt.f32.s32 v21;
	v56 =	vcvt.f32.s32 v28  }
0x12b: {  	v6 =	vld.idx.msk [tilespmem:v23+s17+$0x0], $0xffff;
	v32 =	vcvt.f32.s32 v8;
	v18 =	vmul.f32 $2.560000040e+01, v29  }
0x12c: {  	v8 =	vld [tilespmem:s18+$0x9820];
	v4 =	vmul.f32 v26, v12;
	v12 =	vmul.f32 $2.560000040e+01, v30  }
0x12d: {  	v29 =	vcvt.f32.s32 v0;
	v7 =	vmul.f32 $2.560000040e+01, v7;
	v27 =	vadd.f32 $6.400000000e+01, v18  }
0x12e: {  	v61 =	vld [tilespmem:s18+$0x9C40];
	v5 =	vmul.f32 v17, v10;
	v17 =	vmul.f32 $2.560000040e+01, v31;
	v21 =	vadd.f32 $6.400000000e+01, v12  }
0x12f: {  	v26 =	vld [tilespmem:s18+$0x9C10];
	v12 =	vmul.f32 $2.560000040e+01, v13;
	v13 =	vmul.f32 $2.560000040e+01, v14;
	v60 =	vmax.f32 v27, $0.0e+00  }
0x130: {  	v10 =	vld [tilespmem:s18+$0x9C00];
	v14 =	vmul.f32 $2.560000040e+01, v51;
	v57 =	vmul.f32 v6, v1;
	v1 =	vmin.f32 v60, $1.270000000e+02  }
0x131: {  	v6 =	vld [tilespmem:s18+$0x9870];
	v8 =	vmul.f32 $2.560000040e+01, v8;
	v20 =	vadd.f32 $6.400000000e+01, v17;
	v1 =	vtrunc.f32 v1  }
0x132: {  	v28 =	vld [tilespmem:s18+$0x9C20];
	v62 =	vadd.f32 $6.400000000e+01, v12;
	v63 =	vadd.f32 $6.400000000e+01, v13;
	v31 =	vcvt.f32.s32 v1  }
0x133: {  	v36 =	vld.idx.msk [tilespmem:v43+s17+$0x0], $0xffff;
	v41 =	vmax.f32 v21, $0.0e+00;
	v12 =	vadd.f32 $6.400000000e+01, v14;
	v13 =	vadd.f32 $6.400000000e+01, v7  }
0x134: {  	v30 =	vld [tilespmem:s18+$0x9C30];
	v18 =	vadd.f32 $6.400000000e+01, v8;
	v8 =	vmul.f32 $2.560000040e+01, v26;
	v37 =	vmin.f32 v41, $1.270000000e+02  }
0x135: {  	v59 =	vld.idx.msk [tilespmem:v33+s17+$0x0], $0xffff;
	v44 =	vmax.f32 v20, $0.0e+00;
	v26 =	vmax.f32 v62, $0.0e+00;
	v46 =	vmax.f32 v63, $0.0e+00  }
0x136: {  	v15 =	vmovc v48;
	v34 =	vld.idx.msk [tilespmem:v42+s17+$0x0], $0xffff;
	v48 =	vmax.f32 v13, $0.0e+00;
	v7 =	vmul.f32 $2.560000040e+01, v10;
	v6 =	vmul.f32 $2.560000040e+01, v6  }
0x137: {  	v58 =	vld.idx.msk [tilespmem:v32+s17+$0x0], $0xffff;
	[tilespmem:$0x1FF30] =	vst v62;
	v45 =	vmax.f32 v18, $0.0e+00;
	v10 =	vmul.f32 $2.560000040e+01, v61;
	v44 =	vmin.f32 v44, $1.270000000e+02  }
0x138: {  	v26 =	vmin.f32 v26, $1.270000000e+02;
	v17 =	vadd.f32 $6.400000000e+01, v6;
	v6 =	vmul.f32 $2.560000040e+01, v28;
	v28 =	vld.idx.msk [tilespmem:v31+s17+$0x0], $0xffff;
	[tilespmem:$0x1FF40] =	vst v63  }
0x139: {  	v19 =	vmin.f32 v46, $1.270000000e+02;
	v61 =	vtrunc.f32 v37;
	v45 =	vmin.f32 v45, $1.270000000e+02;
	v38 =	vld.idx.msk [tilespmem:v47+s17+$0x0], $0xffff  }
0x13a: {  	v26 =	vtrunc.f32 v26;
	v19 =	vtrunc.f32 v19;
	v14 =	vadd.f32 $6.400000000e+01, v7;
	v31 =	vld.idx.msk [tilespmem:v31+s2+$0x0], $0xffff  }
0x13b: {  	v7 =	vadd.f32 $6.400000000e+01, v8;
	v8 =	vmul.f32 $2.560000040e+01, v30;
	v30 =	vmax.f32 v12, $0.0e+00;
	v39 =	vld.idx.msk [tilespmem:v29+s17+$0x0], $0xffff  }
0x13c: {  	v10 =	vadd.f32 $6.400000000e+01, v10;
	v52 =	vtrunc.f32 v45;
	v30 =	vmin.f32 v30, $1.270000000e+02;
	v40 =	vld.idx.msk [tilespmem:v53+s17+$0x0], $0xffff  }
0x13d: {  	v8 =	vadd.f32 $6.400000000e+01, v8;
	v35 =	vmax.f32 v14, $0.0e+00;
	v60 =	vmax.f32 v7, $0.0e+00;
	v41 =	vld.idx.msk [tilespmem:v54+s17+$0x0], $0xffff  }
0x13e: {  	v6 =	vadd.f32 $6.400000000e+01, v6;
	v1 =	vmax.f32 v17, $0.0e+00;
	v37 =	vmin.f32 v60, $1.270000000e+02;
	v24 =	vld.idx.msk [tilespmem:v23+s2+$0x0], $0xffff  }
0x13f: {  	v60 =	vtrunc.f32 v30;
	v0 =	vmax.f32 v8, $0.0e+00;
	v63 =	vtrunc.f32 v37;
	v51 =	vld.idx.msk [tilespmem:v25+s2+$0x0], $0xffff  }
0x140: {  	v62 =	vmax.f32 v6, $0.0e+00;
	v50 =	vld.idx.msk [tilespmem:v22+s2+$0x0], $0xffff;
	v22 =	vmin.f32 v48, $1.270000000e+02;
	v25 =	vmin.f32 v1, $1.270000000e+02  }
0x141: {  	v16 =	vmovc v49;
	v23 =	vtrunc.f32 v44;
	v48 =	vld.idx.msk [tilespmem:v32+s2+$0x0], $0xffff;
	v1 =	vmin.f32 v35, $1.270000000e+02;
	v49 =	vmin.f32 v0, $1.270000000e+02  }
0x142: {  	v22 =	vtrunc.f32 v22;
	v0 =	vtrunc.f32 v49;
	v49 =	vld.idx.msk [tilespmem:v29+s2+$0x0], $0xffff;
	v29 =	vadd.f32 v3, v2  }
0x143: {  	v46 =	vld.idx.msk [tilespmem:v33+s2+$0x0], $0xffff;
	v30 =	vmin.f32 v62, $1.270000000e+02;
	v62 =	vtrunc.f32 v1;
	v27 =	vmul.f32 v28, v27  }
0x144: {  	v45 =	vld.idx.msk [tilespmem:v42+s2+$0x0], $0xffff;
	[tilespmem:s0+$0x14450] =	vst v29;
	v29 =	vcvt.f32.s32 v60;
	v28 =	vmax.f32 v10, $0.0e+00;
	v60 =	vadd.f32 v4, v51  }
0x145: {  	v44 =	vld.idx.msk [tilespmem:v43+s2+$0x0], $0xffff;
	v33 =	vcvt.f32.s32 v23;
	v28 =	vmin.f32 v28, $1.270000000e+02;
	v23 =	vadd.f32 v27, v31  }
0x146: {  	v47 =	vld.idx.msk [tilespmem:v47+s2+$0x0], $0xffff;
	v1 =	vtrunc.f32 v28;
	v28 =	vcvt.f32.s32 v19;
	v19 =	vadd.f32 v57, v24;
	[tilespmem:s0+$0x14020] =	vst v60  }
0x147: {  	v42 =	vld.idx.msk [tilespmem:v55+s17+$0x0], $0xffff;
	v31 =	vcvt.f32.s32 v26;
	v26 =	vcvt.f32.s32 v22;
	v22 =	vadd.f32 v5, v50;
	[tilespmem:s18+$0x14450] =	vst v23  }
0x148: {  	v32 =	vcvt.f32.s32 v61;
	v43 =	vld.idx.msk [tilespmem:v56+s17+$0x0], $0xffff;
	v25 =	vtrunc.f32 v25;
	[tilespmem:s0+$0x14000] =	vst v19  }
0x149: {  	v35 =	vtrunc.f32 v30;
	v30 =	vcvt.f32.s32 v52;
	v52 =	vld.idx.msk [tilespmem:v53+s2+$0x0], $0xffff;
	[tilespmem:s0+$0x14010] =	vst v22  }
0x14a: {  	v27 =	vcvt.f32.s32 v25;
	v25 =	vcvt.f32.s32 v62;
	v62 =	vld [tilespmem:$0x1FF50]  }
0x14b: {  	v24 =	vcvt.f32.s32 v63;
	v63 =	vld [tilespmem:$0x1FF60]  }
0x14c: {  	v53 =	vld.idx.msk [tilespmem:v54+s2+$0x0], $0xffff  }
0x14d: {  	s19 =	sadd.s32 $0x1, s30;
	v54 =	vld.idx.msk [tilespmem:v55+s2+$0x0], $0xffff  }
0x14e: {  	s10 =	smul.u32 $0x38, s19;
	v55 =	vld.idx.msk [tilespmem:v56+s2+$0x0], $0xffff;
	v23 =	vcvt.f32.s32 v35  }
0x14f: {  	s11 =	simm.s32 $0x200;
	s5 =	simm.s32 $0x100;
	s6 =	simm.s32 $0x300;
	v56 =	vld.idx.msk [tilespmem:v32+s17+$0x0], $0xffff;
	v22 =	vcvt.f32.s32 v0;
	v19 =	vcvt.f32.s32 v1  }
0x150: {  	s20 =	sadd.s32 s7, s10;
	s10 =	sand.u32 $0x3800, s11;
	s11 =	sand.u32 $0x380, s5;
	v11 =	vmov v9;
	v57 =	vld.idx.msk [tilespmem:v33+s17+$0x0], $0xffff;
	v58 =	vmul.f32 v58, v62;
	v35 =	vmul.f32 v59, v63  }
.LBB2_5:
0x151: {  	v50 =	vld.idx.msk [tilespmem:v30+s17+$0x0], $0xffff  }
0x152: {  	v0 =	vld [tilespmem:$0x1FEE0]  }
0x153: {  	v63 =	vld [tilespmem:$0x1FEF0]  }
0x154: {  	v51 =	vld [tilespmem:$0x1FF00]  }
0x155: {  	v62 =	vld [tilespmem:$0x1FF20]  }
0x156: {  	v32 =	vld.idx.msk [tilespmem:v32+s2+$0x0], $0xffff  }
0x157: {  	s10 =	sor.u32 s11, s10;
	v33 =	vld.idx.msk [tilespmem:v33+s2+$0x0], $0xffff  }
0x158: {  	v2 =	vmov v12;
	v12 =	vld [tilespmem:s10+$0x9C50]  }
0x159: {  	v37 =	vmov v13;
	v13 =	vadd.f32 v58, v48;
	v58 =	vld [tilespmem:$0x1FF10];
	v9 =	vmul.f32 v40, v11  }
0x15a: {  	v1 =	vmovc v17;
	v61 =	vmov v14;
	v17 =	vld [tilespmem:s10+$0x9800];
	v11 =	vmul.f32 v41, v15;
	v15 =	vmul.f32 v42, v16  }
0x15b: {  	[tilespmem:$0x1FEF0] =	vst v37;
	v60 =	vadd.f32 v35, v46;
	v14 =	vld [tilespmem:s10+$0x9810];
	v35 =	vmul.f32 v56, v21;
	v34 =	vmul.f32 v34, v0  }
0x15c: {  	v36 =	vmul.f32 v36, v63;
	v37 =	vmul.f32 v38, v51;
	[tilespmem:s0+$0x14030] =	vst v13;
	v63 =	vld [tilespmem:s10+$0x9820]  }
0x15d: {  	[tilespmem:s0+$0x14040] =	vst v60;
	v16 =	vmul.f32 v43, v62;
	v46 =	vld [tilespmem:s10+$0x9830];
	v12 =	vmul.f32 $2.560000040e+01, v12;
	v13 =	vadd.f32 v34, v45  }
0x15e: {  	v48 =	vld.idx.msk [tilespmem:v31+s2+$0x0], $0xffff;
	v21 =	vadd.f32 v36, v44;
	v45 =	vadd.f32 v37, v47;
	v59 =	vmul.f32 v39, v58  }
0x15f: {  	v37 =	vmul.f32 v57, v20;
	v20 =	vadd.f32 v9, v52;
	v47 =	vld [tilespmem:s10+$0x9840];
	v52 =	vadd.f32 v15, v54;
	[tilespmem:s0+$0x14050] =	vst v13  }
0x160: {  	v15 =	vmovc v6;
	v6 =	vmul.f32 $2.560000040e+01, v14;
	v42 =	vadd.f32 $6.400000000e+01, v12;
	v58 =	vld.idx.msk [tilespmem:v31+s17+$0x0], $0xffff;
	[tilespmem:s0+$0x14060] =	vst v21;
	v13 =	vadd.f32 v59, v49  }
0x161: {  	[tilespmem:s0+$0x14070] =	vst v45;
	v49 =	vmul.f32 v50, v18;
	v18 =	vadd.f32 v11, v53;
	v11 =	vmovc v7;
	v7 =	vmul.f32 $2.560000040e+01, v17;
	v17 =	vld [tilespmem:s10+$0x9850]  }
0x162: {  	[tilespmem:s0+$0x14410] =	vst v20;
	v53 =	vadd.f32 v16, v55;
	v14 =	vld [tilespmem:s10+$0x9860]  }
0x163: {  	[tilespmem:s0+$0x14430] =	vst v52;
	v16 =	vmovc v8;
	v8 =	vld [tilespmem:s10+$0x9870];
	v20 =	vadd.f32 $6.400000000e+01, v6;
	v12 =	vmax.f32 v42, $0.0e+00;
	v6 =	vmul.f32 $2.560000040e+01, v46  }
0x164: {  	v55 =	vld [tilespmem:s10+$0x9C10];
	v12 =	vmin.f32 v12, $1.270000000e+02;
	[tilespmem:s0+$0x14400] =	vst v13;
	v21 =	vadd.f32 $6.400000000e+01, v7;
	v7 =	vmul.f32 $2.560000040e+01, v63  }
0x165: {  	v54 =	vmov v10;
	[tilespmem:s0+$0x14420] =	vst v18;
	v12 =	vtrunc.f32 v12;
	v10 =	vld [tilespmem:s10+$0x9C00];
	v50 =	vadd.f32 $6.400000000e+01, v6  }
0x166: {  	[tilespmem:s0+$0x14440] =	vst v53;
	s0 =	smov.u32 s18;
	s18 =	smov.u32 s10;
	v60 =	vld [tilespmem:s10+$0x9C20];
	v62 =	vcvt.f32.s32 v12;
	v18 =	vadd.f32 $6.400000000e+01, v7;
	v7 =	vmul.f32 $2.560000040e+01, v47  }
0x167: {  	[tilespmem:$0x1FF10] =	vst v61;
	v41 =	vmax.f32 v20, $0.0e+00;
	v61 =	vld [tilespmem:s18+$0x9C30];
	v63 =	vmax.f32 v21, $0.0e+00;
	v6 =	vmul.f32 $2.560000040e+01, v17  }
0x168: {  	v59 =	vld.idx.msk [tilespmem:v28+s17+$0x0], $0xffff;
	v0 =	vmax.f32 v50, $0.0e+00;
	v51 =	vadd.f32 $6.400000000e+01, v7;
	v7 =	vmul.f32 $2.560000040e+01, v14  }
0x169: {  	v34 =	vld.idx.msk [tilespmem:v29+s17+$0x0], $0xffff;
	v56 =	vmin.f32 v63, $1.270000000e+02;
	v43 =	vmax.f32 v18, $0.0e+00;
	v44 =	vmin.f32 v0, $1.270000000e+02  }
0x16a: {  	v36 =	vld.idx.msk [tilespmem:v26+s17+$0x0], $0xffff;
	v12 =	vadd.f32 $6.400000000e+01, v6;
	v6 =	vmul.f32 $2.560000040e+01, v8;
	v13 =	vadd.f32 $6.400000000e+01, v7  }
0x16b: {  	[tilespmem:$0x1FF00] =	vst v1;
	v8 =	vld [tilespmem:s18+$0x9C40];
	v7 =	vmul.f32 $2.560000040e+01, v10;
	v10 =	vmul.f32 $2.560000040e+01, v60;
	v1 =	vmax.f32 v51, $0.0e+00  }
0x16c: {  	v38 =	vmul.f32 $2.560000040e+01, v61;
	v61 =	vmin.f32 v41, $1.270000000e+02;
	v17 =	vadd.f32 $6.400000000e+01, v6;
	v47 =	vld.idx.msk [tilespmem:v62+s17+$0x0], $0xffff  }
0x16d: {  	[tilespmem:$0x1FEE0] =	vst v2;
	v6 =	vmul.f32 $2.560000040e+01, v55;
	v2 =	vmax.f32 v12, $0.0e+00;
	v55 =	vld.idx.msk [tilespmem:v62+s2+$0x0], $0xffff;
	v62 =	vmin.f32 v43, $1.270000000e+02  }
0x16e: {  	v40 =	vld.idx.msk [tilespmem:v24+s17+$0x0], $0xffff;
	v45 =	vmin.f32 v1, $1.270000000e+02;
	v14 =	vadd.f32 $6.400000000e+01, v7;
	v3 =	vmax.f32 v13, $0.0e+00  }
0x16f: {  	v39 =	vld.idx.msk [tilespmem:v25+s17+$0x0], $0xffff;
	v46 =	vmin.f32 v2, $1.270000000e+02;
	v2 =	vtrunc.f32 v45;
	v7 =	vadd.f32 $6.400000000e+01, v6  }
0x170: {  	v41 =	vld.idx.msk [tilespmem:v23+s17+$0x0], $0xffff;
	v6 =	vadd.f32 $6.400000000e+01, v10;
	v52 =	vmax.f32 v17, $0.0e+00;
	v0 =	vmin.f32 v3, $1.270000000e+02  }
0x171: {  	v3 =	vtrunc.f32 v46;
	v46 =	vld.idx.msk [tilespmem:v28+s2+$0x0], $0xffff;
	v28 =	vadd.f32 v35, v32;
	v10 =	vmul.f32 $2.560000040e+01, v8  }
0x172: {  	v1 =	vld.idx.msk [tilespmem:v30+s2+$0x0], $0xffff;
	v8 =	vadd.f32 $6.400000000e+01, v38;
	v53 =	vmax.f32 v14, $0.0e+00;
	v52 =	vmin.f32 v52, $1.270000000e+02  }
0x173: {  	[tilespmem:$0x1FF20] =	vst v54;
	v45 =	vld.idx.msk [tilespmem:v29+s2+$0x0], $0xffff;
	v0 =	vtrunc.f32 v0;
	v29 =	vcvt.f32.s32 v3;
	v54 =	vmax.f32 v7, $0.0e+00  }
0x174: {  	v43 =	vld.idx.msk [tilespmem:v19+s17+$0x0], $0xffff;
	v57 =	vmax.f32 v6, $0.0e+00;
	v53 =	vmin.f32 v53, $1.270000000e+02;
	v4 =	vtrunc.f32 v52  }
0x175: {  	v38 =	vld.idx.msk [tilespmem:v27+s17+$0x0], $0xffff;
	[tilespmem:s0+$0x14000] =	vst v28;
	v28 =	vcvt.f32.s32 v2;
	v10 =	vadd.f32 $6.400000000e+01, v10;
	v60 =	vmax.f32 v8, $0.0e+00  }
0x176: {  	v52 =	vld.idx.msk [tilespmem:v24+s2+$0x0], $0xffff;
	v47 =	vmul.f32 v47, v42;
	v54 =	vmin.f32 v54, $1.270000000e+02;
	v57 =	vmin.f32 v57, $1.270000000e+02  }
0x177: {  	v42 =	vld.idx.msk [tilespmem:v22+s17+$0x0], $0xffff;
	v5 =	vtrunc.f32 v53;
	v1 =	vadd.f32 v49, v1;
	v9 =	vtrunc.f32 v54  }
0x178: {  	v49 =	vld.idx.msk [tilespmem:v25+s2+$0x0], $0xffff;
	v47 =	vadd.f32 v47, v55;
	v55 =	vtrunc.f32 v56;
	v56 =	vtrunc.f32 v61  }
0x179: {  	v60 =	vmin.f32 v60, $1.270000000e+02;
	v54 =	vld.idx.msk [tilespmem:v22+s2+$0x0], $0xffff;
	v61 =	vtrunc.f32 v62;
	v62 =	vtrunc.f32 v44  }
0x17a: {  	v63 =	vmax.f32 v10, $0.0e+00;
	v60 =	vtrunc.f32 v60;
	v44 =	vld.idx.msk [tilespmem:v26+s2+$0x0], $0xffff;
	v32 =	vcvt.f32.s32 v55  }
0x17b: {  	v26 =	vadd.f32 v37, v33;
	v33 =	vcvt.f32.s32 v56;
	v22 =	vcvt.f32.s32 v60;
	v60 =	vld [tilespmem:$0x1FF30]  }
0x17c: {  	p2 =	sne.s32 s6, $0x3700;
	v57 =	vtrunc.f32 v57;
	v63 =	vmin.f32 v63, $1.270000000e+02;
	v30 =	vcvt.f32.s32 v61;
	v61 =	vld [tilespmem:$0x1FF40]  }
.Ltmp1:
0x17d: {  	v53 =	vld.idx.msk [tilespmem:v23+s2+$0x0], $0xffff;
	v25 =	vcvt.f32.s32 v5;
	[tilespmem:s0+$0x14020] =	vst v1;
	v63 =	vtrunc.f32 v63;
	(pc) =	sbr.rel @p2 .LBB2_5-.Ltmp1, $4  }
0x17e: {  	v24 =	vcvt.f32.s32 v9;
	v23 =	vcvt.f32.s32 v57;
	v55 =	vld.idx.msk [tilespmem:v19+s2+$0x0], $0xffff;
	[tilespmem:s18+$0x14450] =	vst v47  }
0x17f: {  	v31 =	vcvt.f32.s32 v62;
	v47 =	vld.idx.msk [tilespmem:v27+s2+$0x0], $0xffff;
	[tilespmem:s0+$0x14010] =	vst v26;
	v26 =	vcvt.f32.s32 v0;
	v62 =	vmov v50  }
0x180: {  	s5 =	sadd.s32 $0x80, s5;
	v27 =	vcvt.f32.s32 v4;
	v19 =	vcvt.f32.s32 v63;
	[tilespmem:$0x1FF30] =	vst v62;
	v63 =	vmov v51;
	v56 =	vld.idx.msk [tilespmem:v32+s17+$0x0], $0xffff  }
0x181: {  	s11 =	sand.u32 $0x380, s5;
	s10 =	sand.u32 $0x3800, s6;
	s6 =	sadd.s32 $0x100, s6;
	v58 =	vmul.f32 v58, v60;
	v35 =	vmul.f32 v59, v61;
	[tilespmem:$0x1FF40] =	vst v63;
	v57 =	vld.idx.msk [tilespmem:v33+s17+$0x0], $0xffff  }
0x182: {  	_ =	sdelay $0x3  }
0x183: {  	s5 =	sor.u32 s11, s10;
	v0 =	vld.idx.msk [tilespmem:v30+s17+$0x0], $0xffff  }
0x184: {  	v1 =	vld [tilespmem:s5+$0x9C50]  }
0x185: {  	v61 =	vld [tilespmem:$0x1FEE0]  }
0x186: {  	v62 =	vld [tilespmem:$0x1FF00]  }
0x187: {  	v63 =	vld [tilespmem:$0x1FF10]  }
0x188: {  	v2 =	vld [tilespmem:s5+$0x9800]  }
0x189: {  	v3 =	vld [tilespmem:s5+$0x9810];
	v1 =	vmul.f32 $2.560000040e+01, v1  }
0x18a: {  	v4 =	vld [tilespmem:s5+$0x9820]  }
0x18b: {  	v5 =	vld [tilespmem:s5+$0x9830];
	v1 =	vadd.f32 $6.400000000e+01, v1  }
0x18c: {  	v9 =	vld [tilespmem:s5+$0x9840]  }
0x18d: {  	v50 =	vld [tilespmem:s5+$0x9850];
	v37 =	vmax.f32 v1, $0.0e+00  }
0x18e: {  	v51 =	vld [tilespmem:s5+$0x9860];
	v37 =	vmin.f32 v37, $1.270000000e+02  }
0x18f: {  	v59 =	vld [tilespmem:s5+$0x9870];
	v34 =	vmul.f32 v34, v61;
	v37 =	vtrunc.f32 v37  }
0x190: {  	v48 =	vadd.f32 v58, v48;
	v61 =	vld [tilespmem:$0x1FEF0];
	v58 =	vcvt.f32.s32 v37  }
0x191: {  	v37 =	vmul.f32 v40, v11;
	v11 =	vmul.f32 v41, v15;
	v41 =	vadd.f32 v34, v45;
	v45 =	vld.idx.msk [tilespmem:v31+s17+$0x0], $0xffff  }
0x192: {  	v60 =	vld [tilespmem:s5+$0x9C00]  }
0x193: {  	v38 =	vmul.f32 v38, v62;
	v62 =	vld [tilespmem:s5+$0x9C20]  }
0x194: {  	v39 =	vmul.f32 v39, v63;
	v63 =	vld [tilespmem:s5+$0x9C30]  }
0x195: {  	v36 =	vmul.f32 v36, v61;
	v61 =	vld [tilespmem:s5+$0x9C10]  }
0x196: {  	v40 =	vld [tilespmem:s5+$0x9C40];
	[tilespmem:$0x1FDF0] =	vst v45  }
0x197: {  	v15 =	vmul.f32 v42, v16;
	v42 =	vmul.f32 v56, v21;
	v21 =	vld.idx.msk [tilespmem:v28+s17+$0x0], $0xffff;
	_ =	sdelay $0x4  }
0x198: {  	v16 =	vld [tilespmem:$0x1FF20];
	[tilespmem:$0x1FE00] =	vst v21  }
0x199: {  	v45 =	vmul.f32 v57, v20;
	v20 =	vld.idx.msk [tilespmem:v29+s17+$0x0], $0xffff;
	_ =	sdelay $0x4  }
0x19a: {  	v16 =	vmul.f32 v43, v16;
	v43 =	vadd.f32 v36, v44;
	v44 =	vadd.f32 v38, v47;
	[tilespmem:$0x1FE10] =	vst v20  }
0x19b: {  	v47 =	vadd.f32 v39, v49;
	v49 =	vadd.f32 v37, v52;
	v39 =	vld.idx.msk [tilespmem:v26+s17+$0x0], $0xffff  }
0x19c: {  	v52 =	vadd.f32 v11, v53;
	v53 =	vadd.f32 v15, v54;
	v15 =	vld.idx.msk [tilespmem:v58+s17+$0x0], $0xffff  }
0x19d: {  	v4 =	vmul.f32 $2.560000040e+01, v4;
	v54 =	vadd.f32 v16, v55;
	v55 =	vld.idx.msk [tilespmem:v27+s17+$0x0], $0xffff  }
0x19e: {  	v3 =	vmul.f32 $2.560000040e+01, v3;
	v16 =	vld.idx.msk [tilespmem:v58+s2+$0x0], $0xffff  }
0x19f: {  	v2 =	vmul.f32 $2.560000040e+01, v2;
	v20 =	vadd.f32 $6.400000000e+01, v4;
	v4 =	vmul.f32 $2.560000040e+01, v50;
	v50 =	vld.idx.msk [tilespmem:v25+s17+$0x0], $0xffff  }
0x1a0: {  	v46 =	vadd.f32 v35, v46;
	v35 =	vadd.f32 $6.400000000e+01, v3;
	v57 =	vmul.f32 $2.560000040e+01, v5;
	v56 =	vld.idx.msk [tilespmem:v24+s17+$0x0], $0xffff  }
0x1a1: {  	v34 =	vadd.f32 $6.400000000e+01, v2;
	v5 =	vmul.f32 $2.560000040e+01, v9;
	v38 =	vmul.f32 v0, v18;
	v32 =	vld.idx.msk [tilespmem:v32+s2+$0x0], $0xffff  }
0x1a2: {  	v18 =	vmul.f32 $2.560000040e+01, v59;
	v40 =	vmul.f32 $2.560000040e+01, v40;
	v36 =	vadd.f32 $6.400000000e+01, v57;
	v33 =	vld.idx.msk [tilespmem:v33+s2+$0x0], $0xffff  }
0x1a3: {  	v37 =	vadd.f32 $6.400000000e+01, v5;
	v5 =	vmul.f32 $2.560000040e+01, v51;
	v57 =	vmax.f32 v35, $0.0e+00;
	v30 =	vld.idx.msk [tilespmem:v30+s2+$0x0], $0xffff  }
0x1a4: {  	v51 =	vmax.f32 v34, $0.0e+00;
	v2 =	vmin.f32 v57, $1.270000000e+02;
	v21 =	vmul.f32 $2.560000040e+01, v60;
	v31 =	vld.idx.msk [tilespmem:v31+s2+$0x0], $0xffff  }
0x1a5: {  	v11 =	vadd.f32 $6.400000000e+01, v5;
	v59 =	vmax.f32 v36, $0.0e+00;
	v60 =	vmax.f32 v37, $0.0e+00;
	v28 =	vld.idx.msk [tilespmem:v28+s2+$0x0], $0xffff  }
0x1a6: {  	v5 =	vadd.f32 $6.400000000e+01, v21;
	v21 =	vmul.f32 $2.560000040e+01, v62;
	v29 =	vld.idx.msk [tilespmem:v29+s2+$0x0], $0xffff;
	v9 =	vadd.f32 $6.400000000e+01, v4  }
0x1a7: {  	v26 =	vld.idx.msk [tilespmem:v26+s2+$0x0], $0xffff;
	[tilespmem:s0+$0x14030] =	vst v48;
	v58 =	vmax.f32 v20, $0.0e+00;
	v4 =	vadd.f32 $6.400000000e+01, v18;
	v18 =	vmul.f32 $2.560000040e+01, v61  }
0x1a8: {  	v27 =	vld.idx.msk [tilespmem:v27+s2+$0x0], $0xffff;
	[tilespmem:s0+$0x14040] =	vst v46;
	v0 =	vmin.f32 v58, $1.270000000e+02;
	v58 =	vmin.f32 v59, $1.270000000e+02;
	v59 =	vmin.f32 v60, $1.270000000e+02  }
0x1a9: {  	v25 =	vld.idx.msk [tilespmem:v25+s2+$0x0], $0xffff;
	[tilespmem:s0+$0x14050] =	vst v41;
	v61 =	vmul.f32 $2.560000040e+01, v63;
	v63 =	vmax.f32 v11, $0.0e+00;
	v46 =	vtrunc.f32 v59  }
0x1aa: {  	v24 =	vld.idx.msk [tilespmem:v24+s2+$0x0], $0xffff;
	[tilespmem:s0+$0x14060] =	vst v43;
	v46 =	vcvt.f32.s32 v46;
	v1 =	vmul.f32 v15, v1;
	v15 =	vadd.f32 $6.400000000e+01, v18  }
0x1ab: {  	[tilespmem:s0+$0x14070] =	vst v44;
	v18 =	vadd.f32 $6.400000000e+01, v21;
	v21 =	vadd.f32 $6.400000000e+01, v61;
	v61 =	vmin.f32 v63, $1.270000000e+02;
	v63 =	vld.idx.msk [tilespmem:v23+s17+$0x0], $0xffff  }
0x1ac: {  	[tilespmem:s0+$0x14400] =	vst v47;
	v62 =	vmax.f32 v9, $0.0e+00;
	v57 =	vtrunc.f32 v0;
	v23 =	vld.idx.msk [tilespmem:v23+s2+$0x0], $0xffff;
	v3 =	vadd.f32 v1, v16  }
0x1ad: {  	[tilespmem:s0+$0x14410] =	vst v49;
	v1 =	vmin.f32 v51, $1.270000000e+02;
	v51 =	vtrunc.f32 v2;
	v2 =	vtrunc.f32 v58;
	v58 =	vld.idx.msk [tilespmem:v22+s17+$0x0], $0xffff  }
0x1ae: {  	[tilespmem:s0+$0x14420] =	vst v52;
	v60 =	vmin.f32 v62, $1.270000000e+02;
	v57 =	vcvt.f32.s32 v57;
	v22 =	vld.idx.msk [tilespmem:v22+s2+$0x0], $0xffff  }
0x1af: {  	[tilespmem:s0+$0x14430] =	vst v53;
	v16 =	vadd.f32 $6.400000000e+01, v40;
	v48 =	vcvt.f32.s32 v2;
	v2 =	vtrunc.f32 v60;
	v60 =	vld.idx.msk [tilespmem:v19+s17+$0x0], $0xffff  }
0x1b0: {  	[tilespmem:s0+$0x14440] =	vst v54;
	v40 =	vtrunc.f32 v1;
	v1 =	vmax.f32 v4, $0.0e+00;
	v51 =	vcvt.f32.s32 v51;
	v19 =	vld.idx.msk [tilespmem:v19+s2+$0x0], $0xffff  }
0x1b1: {  	v32 =	vadd.f32 v42, v32;
	v62 =	vmin.f32 v1, $1.270000000e+02;
	v40 =	vcvt.f32.s32 v40;
	[tilespmem:s5+$0x14450] =	vst v3;
	v53 =	vld.idx.msk [tilespmem:v46+s17+$0x0], $0xffff  }
0x1b2: {  	v1 =	vmax.f32 v15, $0.0e+00;
	v59 =	vcvt.f32.s32 v2;
	v3 =	vadd.f32 v45, v33;
	v33 =	vld [tilespmem:$0x1FF30]  }
0x1b3: {  	v41 =	vmin.f32 v1, $1.270000000e+02;
	v1 =	vtrunc.f32 v61;
	v61 =	vtrunc.f32 v62;
	v54 =	vld [tilespmem:$0x1FDF0];
	[tilespmem:s18+$0x14000] =	vst v32  }
0x1b4: {  	v47 =	vcvt.f32.s32 v61;
	v61 =	vmax.f32 v21, $0.0e+00;
	v32 =	vld [tilespmem:$0x1FF40]  }
0x1b5: {  	v49 =	vmin.f32 v61, $1.270000000e+02;
	v61 =	vld.idx.msk [tilespmem:v57+s17+$0x0], $0xffff  }
0x1b6: {  	v2 =	vmax.f32 v18, $0.0e+00;
	v43 =	vcvt.f32.s32 v1;
	v1 =	vld.idx.msk [tilespmem:v51+s17+$0x0], $0xffff  }
0x1b7: {  	v52 =	vmax.f32 v16, $0.0e+00;
	v44 =	vmin.f32 v2, $1.270000000e+02;
	v2 =	vld.idx.msk [tilespmem:v48+s17+$0x0], $0xffff  }
0x1b8: {  	v13 =	vmul.f32 v39, v13;
	v52 =	vmin.f32 v52, $1.270000000e+02;
	v62 =	vld.idx.msk [tilespmem:v40+s17+$0x0], $0xffff  }
0x1b9: {  	v17 =	vmul.f32 v55, v17;
	v42 =	vtrunc.f32 v52;
	v52 =	vld.idx.msk [tilespmem:v59+s17+$0x0], $0xffff  }
0x1ba: {  	v14 =	vmul.f32 v50, v14;
	v13 =	vadd.f32 v13, v26;
	v33 =	vmul.f32 v54, v33;
	v54 =	vld [tilespmem:$0x1FE00];
	[tilespmem:s18+$0x14010] =	vst v3  }
0x1bb: {  	v7 =	vmul.f32 v56, v7;
	v17 =	vadd.f32 v17, v27;
	v3 =	vld [tilespmem:$0x1FE10]  }
0x1bc: {  	v0 =	vmax.f32 v5, $0.0e+00;
	v14 =	vadd.f32 v14, v25;
	v6 =	vmul.f32 v63, v6;
	[tilespmem:s18+$0x14060] =	vst v13;
	v13 =	vld.idx.msk [tilespmem:v40+s2+$0x0], $0xffff  }
0x1bd: {  	v7 =	vadd.f32 v7, v24;
	v41 =	vtrunc.f32 v41;
	v8 =	vmul.f32 v58, v8;
	[tilespmem:s18+$0x14070] =	vst v17;
	v17 =	vld.idx.msk [tilespmem:v51+s2+$0x0], $0xffff  }
0x1be: {  	v0 =	vmin.f32 v0, $1.270000000e+02;
	v41 =	vcvt.f32.s32 v41;
	v6 =	vadd.f32 v6, v23;
	[tilespmem:s18+$0x14400] =	vst v14;
	v14 =	vld.idx.msk [tilespmem:v57+s2+$0x0], $0xffff  }
0x1bf: {  	v49 =	vtrunc.f32 v49;
	v10 =	vmul.f32 v60, v10;
	v8 =	vadd.f32 v8, v22;
	[tilespmem:s18+$0x14410] =	vst v7;
	v7 =	vld.idx.msk [tilespmem:v48+s2+$0x0], $0xffff  }
0x1c0: {  	v0 =	vtrunc.f32 v0;
	v49 =	vcvt.f32.s32 v49;
	[tilespmem:s18+$0x14420] =	vst v6;
	v6 =	vld.idx.msk [tilespmem:v46+s2+$0x0], $0xffff  }
0x1c1: {  	v0 =	vcvt.f32.s32 v0;
	v10 =	vadd.f32 v10, v19;
	[tilespmem:s18+$0x14430] =	vst v8;
	v8 =	vld.idx.msk [tilespmem:v59+s2+$0x0], $0xffff  }
0x1c2: {  	v30 =	vadd.f32 v38, v30;
	v42 =	vcvt.f32.s32 v42;
	v45 =	vld.idx.msk [tilespmem:v43+s17+$0x0], $0xffff  }
0x1c3: {  	v44 =	vtrunc.f32 v44;
	[tilespmem:s18+$0x14440] =	vst v10;
	v10 =	vld.idx.msk [tilespmem:v43+s2+$0x0], $0xffff  }
0x1c4: {  	v44 =	vcvt.f32.s32 v44;
	[tilespmem:s18+$0x14020] =	vst v30;
	v30 =	vld.idx.msk [tilespmem:v41+s17+$0x0], $0xffff  }
0x1c5: {  	v1 =	vmul.f32 v1, v35;
	v32 =	vmul.f32 v54, v32;
	v54 =	vld.idx.msk [tilespmem:v47+s17+$0x0], $0xffff  }
0x1c6: {  	v2 =	vmul.f32 v2, v36;
	v26 =	vld.idx.msk [tilespmem:v49+s17+$0x0], $0xffff;
	v3 =	vmul.f32 v3, v12;
	v12 =	vadd.f32 v33, v31  }
0x1c7: {  	v31 =	vld.idx.msk [tilespmem:v0+s17+$0x0], $0xffff;
	v1 =	vadd.f32 v1, v17  }
0x1c8: {  	v23 =	vmul.f32 v62, v34;
	v33 =	vld.idx.msk [tilespmem:v42+s17+$0x0], $0xffff;
	v2 =	vadd.f32 v2, v7;
	[tilespmem:s18+$0x14030] =	vst v12  }
0x1c9: {  	v19 =	vmul.f32 v61, v20;
	v17 =	vld.idx.msk [tilespmem:v47+s2+$0x0], $0xffff;
	v28 =	vadd.f32 v32, v28;
	[tilespmem:s5+$0x14010] =	vst v1  }
0x1ca: {  	v35 =	vmul.f32 v52, v9;
	v0 =	vld.idx.msk [tilespmem:v0+s2+$0x0], $0xffff;
	v13 =	vadd.f32 v23, v13;
	[tilespmem:s5+$0x14030] =	vst v2  }
0x1cb: {  	v3 =	vadd.f32 v3, v29;
	v12 =	vld.idx.msk [tilespmem:v44+s17+$0x0], $0xffff;
	[tilespmem:s18+$0x14040] =	vst v28  }
0x1cc: {  	v1 =	vadd.f32 v35, v8;
	[tilespmem:s5+$0x14000] =	vst v13;
	v13 =	vadd.f32 v19, v14;
	v14 =	vmul.f32 v53, v37  }
0x1cd: {  	v8 =	vld.idx.msk [tilespmem:v42+s2+$0x0], $0xffff;
	[tilespmem:s18+$0x14050] =	vst v3;
	v4 =	vmul.f32 v54, v4  }
0x1ce: {  	v7 =	vld.idx.msk [tilespmem:v41+s2+$0x0], $0xffff;
	v9 =	vmul.f32 v45, v11;
	[tilespmem:s5+$0x14050] =	vst v1;
	v6 =	vadd.f32 v14, v6  }
0x1cf: {  	v11 =	vld.idx.msk [tilespmem:v44+s2+$0x0], $0xffff;
	[tilespmem:s5+$0x14020] =	vst v13;
	v5 =	vmul.f32 v31, v5;
	v4 =	vadd.f32 v4, v17  }
0x1d0: {  	v36 =	vld.idx.msk [tilespmem:v49+s2+$0x0], $0xffff;
	v3 =	vmul.f32 v33, v16;
	[tilespmem:s5+$0x14040] =	vst v6;
	v6 =	vadd.f32 v9, v10  }
0x1d1: {  	v9 =	vmul.f32 v30, v15;
	v0 =	vadd.f32 v5, v0;
	[tilespmem:s5+$0x14070] =	vst v4  }
0x1d2: {  	v37 =	vmul.f32 v12, v18;
	v39 =	vadd.f32 v3, v8;
	[tilespmem:s5+$0x14060] =	vst v6  }
0x1d3: {  	v5 =	vmul.f32 v26, v21;
	v6 =	vadd.f32 v9, v7;
	[tilespmem:s5+$0x14400] =	vst v0  }
0x1d4: {  	v1 =	vadd.f32 v37, v11;
	[tilespmem:s5+$0x14440] =	vst v39  }
0x1d5: {  	v38 =	vadd.f32 v5, v36;
	[tilespmem:s5+$0x14410] =	vst v6  }
0x1d6: {  	s10 =	sshll.u32 s20, $0x5;
	[tilespmem:s5+$0x14420] =	vst v1  }
0x1d7: {  	s0 =	sadd.s32 s3, s10;
	[tilespmem:s5+$0x14430] =	vst v38  }
0x1d8: {  	[hbm4b:s0+s4] =	stream.linear.scatter [tilespmem:s23], [sflag:$0x3], $0x3800, $0x38;
	[tilespmem:$0x1B000] =	vst v63  }
0x1d9: {  	s0 =	sadd.s32 @!p0 s29, s13  }
0x1da: {  	s0 =	sshll.u32 @!p0 s0, $0x5  }
0x1db: {  	s2 =	simm.s32 @!p0 $0x0;
	s5 =	simm.s32 @!p0 $0x9800;
	s0 =	sadd.s32 @!p0 s1, s0  }
0x1dc: {  	[tilespmem:s5], [sflag:$0x2] =	stream.linear.gather @!p0 [hbm4b:s0+s2], $0x3800, $0x38;
	[tilespmem:$0x1B000] =	vst v63  }
0x1dd: {  	_ =	swait.ge [sflag:s21], $0x3800  }
0x1de: {  	[sflag:s21] =	ssyncset.done $0x0  }
0x1df: {  	s0 =	simm.s32 @!p1 $0x3;
	[sflag:s21] =	ssyncadd.s32 $0xFFFFC800  }
0x1e0: {  	s11 =	simm.s32 $0x0;
	_ =	swait.ge @!p1 [sflag:s0], $0x3800  }
0x1e1: {  	s17 =	sand.u32 $0x3800, s11;
	s2 =	sand.u32 $0x380, s11;
	[sflag:s0] =	ssyncset.done @!p1 $0x0  }
0x1e2: {  	[sflag:s0] =	ssyncadd.s32 @!p1 $0xFFFFC800;
	s0 =	sor.u32 s2, s17  }
0x1e3: {  	v40 =	vld [tilespmem:s0+$0xD450]  }
0x1e4: {  	v41 =	vld [tilespmem:s0+$0xD000]  }
0x1e5: {  	v42 =	vld [tilespmem:s0+$0xD010]  }
0x1e6: {  	v43 =	vld [tilespmem:s0+$0xD020]  }
0x1e7: {  	v4 =	vld [tilespmem:s0+$0xD030]  }
0x1e8: {  	v5 =	vld [tilespmem:s0+$0xD040]  }
0x1e9: {  	v6 =	vld [tilespmem:s0+$0xD050]  }
0x1ea: {  	v9 =	vld [tilespmem:s0+$0xD400]  }
0x1eb: {  	v11 =	vld [tilespmem:s0+$0xD410];
	v0 =	vmul.f32 $2.560000040e+01, v40  }
0x1ec: {  	v7 =	vld [tilespmem:s0+$0xD060];
	v1 =	vmul.f32 $2.560000040e+01, v41;
	v2 =	vmul.f32 $2.560000040e+01, v42  }
0x1ed: {  	v8 =	vld [tilespmem:s0+$0xD070];
	v3 =	vmul.f32 $2.560000040e+01, v43;
	v4 =	vmul.f32 $2.560000040e+01, v4  }
0x1ee: {  	v5 =	vmul.f32 $2.560000040e+01, v5;
	v45 =	vmul.f32 $2.560000040e+01, v6;
	v0 =	vadd.f32 $6.400000000e+01, v0  }
0x1ef: {  	v9 =	vmul.f32 $2.560000040e+01, v9;
	v1 =	vadd.f32 $6.400000000e+01, v1;
	v10 =	vadd.f32 $6.400000000e+01, v2  }
0x1f0: {  	v11 =	vmul.f32 $2.560000040e+01, v11;
	v12 =	vadd.f32 $6.400000000e+01, v3;
	v17 =	vadd.f32 $6.400000000e+01, v4  }
0x1f1: {  	v18 =	vadd.f32 $6.400000000e+01, v5;
	v4 =	vmul.f32 $2.560000040e+01, v7;
	v46 =	vadd.f32 $6.400000000e+01, v45  }
0x1f2: {  	v5 =	vmul.f32 $2.560000040e+01, v8;
	v44 =	vmax.f32 v0, $0.0e+00;
	[tilespmem:$0x1FE90] =	vst v17;
	v14 =	vmax.f32 v1, $0.0e+00  }
0x1f3: {  	v15 =	vmax.f32 v10, $0.0e+00;
	v47 =	vadd.f32 $6.400000000e+01, v4;
	v16 =	vmax.f32 v12, $0.0e+00;
	v6 =	vld [tilespmem:s0+$0xD420];
	[tilespmem:$0x1FEA0] =	vst v18  }
0x1f4: {  	s18 =	sand.u32 $0x3, s19;
	v4 =	vadd.f32 $6.400000000e+01, v5;
	v17 =	vmax.f32 v17, $0.0e+00;
	v2 =	vmin.f32 v44, $1.270000000e+02;
	v7 =	vld [tilespmem:s0+$0xD430]  }
0x1f5: {  	p1 =	seq.s32 s18, $0x3;
	s2 =	simm.s32 $0x1;
	v5 =	vadd.f32 $6.400000000e+01, v9;
	v9 =	vadd.f32 $6.400000000e+01, v11;
	v2 =	vtrunc.f32 v2;
	v8 =	vld [tilespmem:s0+$0xD440]  }
0x1f6: {  	s2 =	simm.s32 @!p1 $0x0;
	v15 =	vmin.f32 v15, $1.270000000e+02;
	v16 =	vmin.f32 v16, $1.270000000e+02;
	v13 =	vcvt.f32.s32 v2  }
0x1f7: {  	s31 =	sadd.s32 s2, s31;
	v20 =	vmax.f32 v46, $0.0e+00;
	v15 =	vtrunc.f32 v15;
	v19 =	vtrunc.f32 v16  }
0x1f8: {  	p1 =	sgt.s32 s31, $0x5F;
	s2 =	sadd.s32 $0xFFFFFFA0, s31;
	v18 =	vmax.f32 v18, $0.0e+00;
	v22 =	vcvt.f32.s32 v15;
	v6 =	vmul.f32 $2.560000040e+01, v6  }
0x1f9: {  	s31 =	smov.u32 @p1 s2;
	v21 =	vmax.f32 v4, $0.0e+00;
	v25 =	vcvt.f32.s32 v19;
	v7 =	vmul.f32 $2.560000040e+01, v7  }
0x1fa: {  	s2 =	sshll.u32 s31, $0x7;
	[tilespmem:$0x1FE20] =	vst v46;
	v48 =	vadd.f32 $6.400000000e+01, v6;
	v6 =	vmul.f32 $2.560000040e+01, v8;
	v8 =	vmin.f32 v14, $1.270000000e+02  }
0x1fb: {  	s17 =	sadd.s32 $0x3000, s2;
	[tilespmem:$0x1FE30] =	vst v47;
	v14 =	vmax.f32 v47, $0.0e+00;
	v8 =	vtrunc.f32 v8;
	v49 =	vadd.f32 $6.400000000e+01, v7  }
0x1fc: {  	v7 =	vmax.f32 v9, $0.0e+00;
	v23 =	vcvt.f32.s32 v8;
	v8 =	vld.idx.msk [tilespmem:v13+s17+$0x0], $0xffff;
	[tilespmem:$0x1FE40] =	vst v4;
	v4 =	vadd.f32 $6.400000000e+01, v6  }
0x1fd: {  	v14 =	vmin.f32 v14, $1.270000000e+02;
	[tilespmem:$0x1FE50] =	vst v5;
	v26 =	vmax.f32 v48, $0.0e+00;
	v7 =	vmin.f32 v7, $1.270000000e+02  }
0x1fe: {  	s6 =	simm.s32 $0x80;
	s19 =	simm.s32 $0x100;
	v14 =	vtrunc.f32 v14;
	v27 =	vmax.f32 v49, $0.0e+00;
	v7 =	vtrunc.f32 v7;
	[tilespmem:$0x1FE60] =	vst v4  }
0x1ff: {  	s6 =	sand.u32 $0x380, s6;
	s5 =	sand.u32 $0x3800, s19;
	v43 =	vcvt.f32.s32 v14;
	v27 =	vmin.f32 v27, $1.270000000e+02;
	v2 =	vld.idx.msk [tilespmem:v13+s2+$0x0], $0xffff;
	v13 =	vmin.f32 v18, $1.270000000e+02  }
0x200: {  	s18 =	sor.u32 s6, s5;
	v18 =	vmin.f32 v20, $1.270000000e+02;
	v20 =	vmin.f32 v21, $1.270000000e+02;
	v21 =	vmin.f32 v26, $1.270000000e+02;
	v26 =	vld.idx.msk [tilespmem:v25+s17+$0x0], $0xffff  }
0x201: {  	v17 =	vmin.f32 v17, $1.270000000e+02;
	v53 =	vcvt.f32.s32 v7;
	v29 =	vld [tilespmem:s18+$0xD450];
	v27 =	vtrunc.f32 v27  }
0x202: {  	v28 =	vmax.f32 v4, $0.0e+00;
	v30 =	vld [tilespmem:s18+$0xD000];
	v13 =	vtrunc.f32 v13;
	v18 =	vtrunc.f32 v18  }
0x203: {  	v28 =	vmin.f32 v28, $1.270000000e+02;
	v31 =	vld [tilespmem:s18+$0xD010];
	v20 =	vtrunc.f32 v20;
	v21 =	vtrunc.f32 v21  }
0x204: {  	v6 =	vmax.f32 v5, $0.0e+00;
	v14 =	vld [tilespmem:s18+$0xD040];
	v28 =	vtrunc.f32 v28;
	v55 =	vcvt.f32.s32 v27  }
0x205: {  	v50 =	vmin.f32 v6, $1.270000000e+02;
	v51 =	vld [tilespmem:s18+$0xD050];
	v3 =	vmul.f32 v8, v0;
	v8 =	vtrunc.f32 v17  }
0x206: {  	v7 =	vld [tilespmem:s18+$0xD060];
	v0 =	vtrunc.f32 v50;
	v33 =	vcvt.f32.s32 v13  }
0x207: {  	v17 =	vld.idx.msk [tilespmem:v22+s17+$0x0], $0xffff;
	v42 =	vcvt.f32.s32 v18;
	v47 =	vcvt.f32.s32 v20  }
0x208: {  	v13 =	vld [tilespmem:s18+$0xD030];
	v54 =	vcvt.f32.s32 v21;
	v56 =	vcvt.f32.s32 v28  }
0x209: {  	v6 =	vld.idx.msk [tilespmem:v23+s17+$0x0], $0xffff;
	v32 =	vcvt.f32.s32 v8;
	v18 =	vmul.f32 $2.560000040e+01, v29  }
0x20a: {  	v8 =	vld [tilespmem:s18+$0xD020];
	v4 =	vmul.f32 v26, v12;
	v12 =	vmul.f32 $2.560000040e+01, v30  }
0x20b: {  	v29 =	vcvt.f32.s32 v0;
	v7 =	vmul.f32 $2.560000040e+01, v7;
	v27 =	vadd.f32 $6.400000000e+01, v18  }
0x20c: {  	v61 =	vld [tilespmem:s18+$0xD440];
	v5 =	vmul.f32 v17, v10;
	v17 =	vmul.f32 $2.560000040e+01, v31;
	v21 =	vadd.f32 $6.400000000e+01, v12  }
0x20d: {  	v26 =	vld [tilespmem:s18+$0xD410];
	v12 =	vmul.f32 $2.560000040e+01, v13;
	v13 =	vmul.f32 $2.560000040e+01, v14;
	v60 =	vmax.f32 v27, $0.0e+00  }
0x20e: {  	v10 =	vld [tilespmem:s18+$0xD400];
	v14 =	vmul.f32 $2.560000040e+01, v51;
	v57 =	vmul.f32 v6, v1;
	v1 =	vmin.f32 v60, $1.270000000e+02  }
0x20f: {  	v6 =	vld [tilespmem:s18+$0xD070];
	v8 =	vmul.f32 $2.560000040e+01, v8;
	v20 =	vadd.f32 $6.400000000e+01, v17;
	v1 =	vtrunc.f32 v1  }
0x210: {  	v28 =	vld [tilespmem:s18+$0xD420];
	v62 =	vadd.f32 $6.400000000e+01, v12;
	v63 =	vadd.f32 $6.400000000e+01, v13;
	v31 =	vcvt.f32.s32 v1  }
0x211: {  	v36 =	vld.idx.msk [tilespmem:v43+s17+$0x0], $0xffff;
	v41 =	vmax.f32 v21, $0.0e+00;
	v12 =	vadd.f32 $6.400000000e+01, v14;
	v13 =	vadd.f32 $6.400000000e+01, v7  }
0x212: {  	v30 =	vld [tilespmem:s18+$0xD430];
	v18 =	vadd.f32 $6.400000000e+01, v8;
	v8 =	vmul.f32 $2.560000040e+01, v26;
	v37 =	vmin.f32 v41, $1.270000000e+02  }
0x213: {  	v59 =	vld.idx.msk [tilespmem:v33+s17+$0x0], $0xffff;
	v44 =	vmax.f32 v20, $0.0e+00;
	v26 =	vmax.f32 v62, $0.0e+00;
	v46 =	vmax.f32 v63, $0.0e+00  }
0x214: {  	v15 =	vmovc v48;
	v34 =	vld.idx.msk [tilespmem:v42+s17+$0x0], $0xffff;
	v48 =	vmax.f32 v13, $0.0e+00;
	v7 =	vmul.f32 $2.560000040e+01, v10;
	v6 =	vmul.f32 $2.560000040e+01, v6  }
0x215: {  	v58 =	vld.idx.msk [tilespmem:v32+s17+$0x0], $0xffff;
	[tilespmem:$0x1FE70] =	vst v62;
	v45 =	vmax.f32 v18, $0.0e+00;
	v10 =	vmul.f32 $2.560000040e+01, v61;
	v44 =	vmin.f32 v44, $1.270000000e+02  }
0x216: {  	v26 =	vmin.f32 v26, $1.270000000e+02;
	v17 =	vadd.f32 $6.400000000e+01, v6;
	v6 =	vmul.f32 $2.560000040e+01, v28;
	v28 =	vld.idx.msk [tilespmem:v31+s17+$0x0], $0xffff;
	[tilespmem:$0x1FE80] =	vst v63  }
0x217: {  	v19 =	vmin.f32 v46, $1.270000000e+02;
	v61 =	vtrunc.f32 v37;
	v45 =	vmin.f32 v45, $1.270000000e+02;
	v38 =	vld.idx.msk [tilespmem:v47+s17+$0x0], $0xffff  }
0x218: {  	v26 =	vtrunc.f32 v26;
	v19 =	vtrunc.f32 v19;
	v14 =	vadd.f32 $6.400000000e+01, v7;
	v31 =	vld.idx.msk [tilespmem:v31+s2+$0x0], $0xffff  }
0x219: {  	v7 =	vadd.f32 $6.400000000e+01, v8;
	v8 =	vmul.f32 $2.560000040e+01, v30;
	v30 =	vmax.f32 v12, $0.0e+00;
	v39 =	vld.idx.msk [tilespmem:v29+s17+$0x0], $0xffff  }
0x21a: {  	v10 =	vadd.f32 $6.400000000e+01, v10;
	v52 =	vtrunc.f32 v45;
	v30 =	vmin.f32 v30, $1.270000000e+02;
	v40 =	vld.idx.msk [tilespmem:v53+s17+$0x0], $0xffff  }
0x21b: {  	v8 =	vadd.f32 $6.400000000e+01, v8;
	v35 =	vmax.f32 v14, $0.0e+00;
	v60 =	vmax.f32 v7, $0.0e+00;
	v41 =	vld.idx.msk [tilespmem:v54+s17+$0x0], $0xffff  }
0x21c: {  	v6 =	vadd.f32 $6.400000000e+01, v6;
	v1 =	vmax.f32 v17, $0.0e+00;
	v37 =	vmin.f32 v60, $1.270000000e+02;
	v24 =	vld.idx.msk [tilespmem:v23+s2+$0x0], $0xffff  }
0x21d: {  	v60 =	vtrunc.f32 v30;
	v0 =	vmax.f32 v8, $0.0e+00;
	v63 =	vtrunc.f32 v37;
	v51 =	vld.idx.msk [tilespmem:v25+s2+$0x0], $0xffff  }
0x21e: {  	v62 =	vmax.f32 v6, $0.0e+00;
	v50 =	vld.idx.msk [tilespmem:v22+s2+$0x0], $0xffff;
	v22 =	vmin.f32 v48, $1.270000000e+02;
	v25 =	vmin.f32 v1, $1.270000000e+02  }
0x21f: {  	v16 =	vmovc v49;
	v23 =	vtrunc.f32 v44;
	v48 =	vld.idx.msk [tilespmem:v32+s2+$0x0], $0xffff;
	v1 =	vmin.f32 v35, $1.270000000e+02;
	v49 =	vmin.f32 v0, $1.270000000e+02  }
0x220: {  	v22 =	vtrunc.f32 v22;
	v0 =	vtrunc.f32 v49;
	v49 =	vld.idx.msk [tilespmem:v29+s2+$0x0], $0xffff;
	v29 =	vadd.f32 v3, v2  }
0x221: {  	v46 =	vld.idx.msk [tilespmem:v33+s2+$0x0], $0xffff;
	v30 =	vmin.f32 v62, $1.270000000e+02;
	v62 =	vtrunc.f32 v1;
	v27 =	vmul.f32 v28, v27  }
0x222: {  	v45 =	vld.idx.msk [tilespmem:v42+s2+$0x0], $0xffff;
	[tilespmem:s0+$0x17C50] =	vst v29;
	v29 =	vcvt.f32.s32 v60;
	v28 =	vmax.f32 v10, $0.0e+00;
	v60 =	vadd.f32 v4, v51  }
0x223: {  	v44 =	vld.idx.msk [tilespmem:v43+s2+$0x0], $0xffff;
	v33 =	vcvt.f32.s32 v23;
	v28 =	vmin.f32 v28, $1.270000000e+02;
	v23 =	vadd.f32 v27, v31  }
0x224: {  	v47 =	vld.idx.msk [tilespmem:v47+s2+$0x0], $0xffff;
	v1 =	vtrunc.f32 v28;
	v28 =	vcvt.f32.s32 v19;
	v19 =	vadd.f32 v57, v24;
	[tilespmem:s0+$0x17820] =	vst v60  }
0x225: {  	v42 =	vld.idx.msk [tilespmem:v55+s17+$0x0], $0xffff;
	v31 =	vcvt.f32.s32 v26;
	v26 =	vcvt.f32.s32 v22;
	v22 =	vadd.f32 v5, v50;
	[tilespmem:s18+$0x17C50] =	vst v23  }
0x226: {  	v32 =	vcvt.f32.s32 v61;
	v43 =	vld.idx.msk [tilespmem:v56+s17+$0x0], $0xffff;
	v25 =	vtrunc.f32 v25;
	[tilespmem:s0+$0x17800] =	vst v19  }
0x227: {  	v35 =	vtrunc.f32 v30;
	v30 =	vcvt.f32.s32 v52;
	v52 =	vld.idx.msk [tilespmem:v53+s2+$0x0], $0xffff;
	[tilespmem:s0+$0x17810] =	vst v22  }
0x228: {  	v27 =	vcvt.f32.s32 v25;
	v25 =	vcvt.f32.s32 v62;
	v62 =	vld [tilespmem:$0x1FE90]  }
0x229: {  	v24 =	vcvt.f32.s32 v63;
	v63 =	vld [tilespmem:$0x1FEA0]  }
0x22a: {  	v53 =	vld.idx.msk [tilespmem:v54+s2+$0x0], $0xffff  }
0x22b: {  	s19 =	sadd.s32 $0x2, s30;
	v54 =	vld.idx.msk [tilespmem:v55+s2+$0x0], $0xffff  }
0x22c: {  	s30 =	simm.s32 $0x200;
	s20 =	smul.u32 $0x38, s19;
	v55 =	vld.idx.msk [tilespmem:v56+s2+$0x0], $0xffff;
	v23 =	vcvt.f32.s32 v35  }
0x22d: {  	s10 =	sand.u32 $0x3800, s30;
	s5 =	simm.s32 $0x100;
	v56 =	vld.idx.msk [tilespmem:v32+s17+$0x0], $0xffff;
	v22 =	vcvt.f32.s32 v0;
	v19 =	vcvt.f32.s32 v1  }
0x22e: {  	s20 =	sadd.s32 s7, s20;
	s6 =	simm.s32 $0x300;
	s11 =	sand.u32 $0x380, s5;
	v11 =	vmov v9;
	v57 =	vld.idx.msk [tilespmem:v33+s17+$0x0], $0xffff;
	v58 =	vmul.f32 v58, v62;
	v35 =	vmul.f32 v59, v63  }
.LBB2_7:
0x22f: {  	v50 =	vld.idx.msk [tilespmem:v30+s17+$0x0], $0xffff  }
0x230: {  	v0 =	vld [tilespmem:$0x1FE20]  }
0x231: {  	v63 =	vld [tilespmem:$0x1FE30]  }
0x232: {  	v51 =	vld [tilespmem:$0x1FE40]  }
0x233: {  	v62 =	vld [tilespmem:$0x1FE60]  }
0x234: {  	v32 =	vld.idx.msk [tilespmem:v32+s2+$0x0], $0xffff  }
0x235: {  	s10 =	sor.u32 s11, s10;
	v33 =	vld.idx.msk [tilespmem:v33+s2+$0x0], $0xffff  }
0x236: {  	v2 =	vmov v12;
	v12 =	vld [tilespmem:s10+$0xD450]  }
0x237: {  	v37 =	vmov v13;
	v13 =	vadd.f32 v58, v48;
	v58 =	vld [tilespmem:$0x1FE50];
	v9 =	vmul.f32 v40, v11  }
0x238: {  	v1 =	vmovc v17;
	v61 =	vmov v14;
	v17 =	vld [tilespmem:s10+$0xD000];
	v11 =	vmul.f32 v41, v15;
	v15 =	vmul.f32 v42, v16  }
0x239: {  	[tilespmem:$0x1FE30] =	vst v37;
	v60 =	vadd.f32 v35, v46;
	v14 =	vld [tilespmem:s10+$0xD010];
	v35 =	vmul.f32 v56, v21;
	v34 =	vmul.f32 v34, v0  }
0x23a: {  	v36 =	vmul.f32 v36, v63;
	v37 =	vmul.f32 v38, v51;
	[tilespmem:s0+$0x17830] =	vst v13;
	v63 =	vld [tilespmem:s10+$0xD020]  }
0x23b: {  	[tilespmem:s0+$0x17840] =	vst v60;
	v16 =	vmul.f32 v43, v62;
	v46 =	vld [tilespmem:s10+$0xD030];
	v12 =	vmul.f32 $2.560000040e+01, v12;
	v13 =	vadd.f32 v34, v45  }
0x23c: {  	v48 =	vld.idx.msk [tilespmem:v31+s2+$0x0], $0xffff;
	v21 =	vadd.f32 v36, v44;
	v45 =	vadd.f32 v37, v47;
	v59 =	vmul.f32 v39, v58  }
0x23d: {  	v37 =	vmul.f32 v57, v20;
	v20 =	vadd.f32 v9, v52;
	v47 =	vld [tilespmem:s10+$0xD040];
	v52 =	vadd.f32 v15, v54;
	[tilespmem:s0+$0x17850] =	vst v13  }
0x23e: {  	v15 =	vmovc v6;
	v6 =	vmul.f32 $2.560000040e+01, v14;
	v42 =	vadd.f32 $6.400000000e+01, v12;
	v58 =	vld.idx.msk [tilespmem:v31+s17+$0x0], $0xffff;
	[tilespmem:s0+$0x17860] =	vst v21;
	v13 =	vadd.f32 v59, v49  }
0x23f: {  	[tilespmem:s0+$0x17870] =	vst v45;
	v49 =	vmul.f32 v50, v18;
	v18 =	vadd.f32 v11, v53;
	v11 =	vmovc v7;
	v7 =	vmul.f32 $2.560000040e+01, v17;
	v17 =	vld [tilespmem:s10+$0xD050]  }
0x240: {  	[tilespmem:s0+$0x17C10] =	vst v20;
	v53 =	vadd.f32 v16, v55;
	v14 =	vld [tilespmem:s10+$0xD060]  }
0x241: {  	[tilespmem:s0+$0x17C30] =	vst v52;
	v16 =	vmovc v8;
	v8 =	vld [tilespmem:s10+$0xD070];
	v20 =	vadd.f32 $6.400000000e+01, v6;
	v12 =	vmax.f32 v42, $0.0e+00;
	v6 =	vmul.f32 $2.560000040e+01, v46  }
0x242: {  	v55 =	vld [tilespmem:s10+$0xD410];
	v12 =	vmin.f32 v12, $1.270000000e+02;
	[tilespmem:s0+$0x17C00] =	vst v13;
	v21 =	vadd.f32 $6.400000000e+01, v7;
	v7 =	vmul.f32 $2.560000040e+01, v63  }
0x243: {  	v54 =	vmov v10;
	[tilespmem:s0+$0x17C20] =	vst v18;
	v12 =	vtrunc.f32 v12;
	v10 =	vld [tilespmem:s10+$0xD400];
	v50 =	vadd.f32 $6.400000000e+01, v6  }
0x244: {  	[tilespmem:s0+$0x17C40] =	vst v53;
	s0 =	smov.u32 s18;
	s18 =	smov.u32 s10;
	v60 =	vld [tilespmem:s10+$0xD420];
	v62 =	vcvt.f32.s32 v12;
	v18 =	vadd.f32 $6.400000000e+01, v7;
	v7 =	vmul.f32 $2.560000040e+01, v47  }
0x245: {  	[tilespmem:$0x1FE50] =	vst v61;
	v41 =	vmax.f32 v20, $0.0e+00;
	v61 =	vld [tilespmem:s18+$0xD430];
	v63 =	vmax.f32 v21, $0.0e+00;
	v6 =	vmul.f32 $2.560000040e+01, v17  }
0x246: {  	v59 =	vld.idx.msk [tilespmem:v28+s17+$0x0], $0xffff;
	v0 =	vmax.f32 v50, $0.0e+00;
	v51 =	vadd.f32 $6.400000000e+01, v7;
	v7 =	vmul.f32 $2.560000040e+01, v14  }
0x247: {  	v34 =	vld.idx.msk [tilespmem:v29+s17+$0x0], $0xffff;
	v56 =	vmin.f32 v63, $1.270000000e+02;
	v43 =	vmax.f32 v18, $0.0e+00;
	v44 =	vmin.f32 v0, $1.270000000e+02  }
0x248: {  	v36 =	vld.idx.msk [tilespmem:v26+s17+$0x0], $0xffff;
	v12 =	vadd.f32 $6.400000000e+01, v6;
	v6 =	vmul.f32 $2.560000040e+01, v8;
	v13 =	vadd.f32 $6.400000000e+01, v7  }
0x249: {  	[tilespmem:$0x1FE40] =	vst v1;
	v8 =	vld [tilespmem:s18+$0xD440];
	v7 =	vmul.f32 $2.560000040e+01, v10;
	v10 =	vmul.f32 $2.560000040e+01, v60;
	v1 =	vmax.f32 v51, $0.0e+00  }
0x24a: {  	v38 =	vmul.f32 $2.560000040e+01, v61;
	v61 =	vmin.f32 v41, $1.270000000e+02;
	v17 =	vadd.f32 $6.400000000e+01, v6;
	v47 =	vld.idx.msk [tilespmem:v62+s17+$0x0], $0xffff  }
0x24b: {  	[tilespmem:$0x1FE20] =	vst v2;
	v6 =	vmul.f32 $2.560000040e+01, v55;
	v2 =	vmax.f32 v12, $0.0e+00;
	v55 =	vld.idx.msk [tilespmem:v62+s2+$0x0], $0xffff;
	v62 =	vmin.f32 v43, $1.270000000e+02  }
0x24c: {  	v40 =	vld.idx.msk [tilespmem:v24+s17+$0x0], $0xffff;
	v45 =	vmin.f32 v1, $1.270000000e+02;
	v14 =	vadd.f32 $6.400000000e+01, v7;
	v3 =	vmax.f32 v13, $0.0e+00  }
0x24d: {  	v39 =	vld.idx.msk [tilespmem:v25+s17+$0x0], $0xffff;
	v46 =	vmin.f32 v2, $1.270000000e+02;
	v2 =	vtrunc.f32 v45;
	v7 =	vadd.f32 $6.400000000e+01, v6  }
0x24e: {  	v41 =	vld.idx.msk [tilespmem:v23+s17+$0x0], $0xffff;
	v6 =	vadd.f32 $6.400000000e+01, v10;
	v52 =	vmax.f32 v17, $0.0e+00;
	v0 =	vmin.f32 v3, $1.270000000e+02  }
0x24f: {  	v3 =	vtrunc.f32 v46;
	v46 =	vld.idx.msk [tilespmem:v28+s2+$0x0], $0xffff;
	v28 =	vadd.f32 v35, v32;
	v10 =	vmul.f32 $2.560000040e+01, v8  }
0x250: {  	v1 =	vld.idx.msk [tilespmem:v30+s2+$0x0], $0xffff;
	v8 =	vadd.f32 $6.400000000e+01, v38;
	v53 =	vmax.f32 v14, $0.0e+00;
	v52 =	vmin.f32 v52, $1.270000000e+02  }
0x251: {  	[tilespmem:$0x1FE60] =	vst v54;
	v45 =	vld.idx.msk [tilespmem:v29+s2+$0x0], $0xffff;
	v0 =	vtrunc.f32 v0;
	v29 =	vcvt.f32.s32 v3;
	v54 =	vmax.f32 v7, $0.0e+00  }
0x252: {  	v43 =	vld.idx.msk [tilespmem:v19+s17+$0x0], $0xffff;
	v57 =	vmax.f32 v6, $0.0e+00;
	v53 =	vmin.f32 v53, $1.270000000e+02;
	v4 =	vtrunc.f32 v52  }
0x253: {  	v38 =	vld.idx.msk [tilespmem:v27+s17+$0x0], $0xffff;
	[tilespmem:s0+$0x17800] =	vst v28;
	v28 =	vcvt.f32.s32 v2;
	v10 =	vadd.f32 $6.400000000e+01, v10;
	v60 =	vmax.f32 v8, $0.0e+00  }
0x254: {  	v52 =	vld.idx.msk [tilespmem:v24+s2+$0x0], $0xffff;
	v47 =	vmul.f32 v47, v42;
	v54 =	vmin.f32 v54, $1.270000000e+02;
	v57 =	vmin.f32 v57, $1.270000000e+02  }
0x255: {  	v42 =	vld.idx.msk [tilespmem:v22+s17+$0x0], $0xffff;
	v5 =	vtrunc.f32 v53;
	v1 =	vadd.f32 v49, v1;
	v9 =	vtrunc.f32 v54  }
0x256: {  	v49 =	vld.idx.msk [tilespmem:v25+s2+$0x0], $0xffff;
	v47 =	vadd.f32 v47, v55;
	v55 =	vtrunc.f32 v56;
	v56 =	vtrunc.f32 v61  }
0x257: {  	v60 =	vmin.f32 v60, $1.270000000e+02;
	v54 =	vld.idx.msk [tilespmem:v22+s2+$0x0], $0xffff;
	v61 =	vtrunc.f32 v62;
	v62 =	vtrunc.f32 v44  }
0x258: {  	v63 =	vmax.f32 v10, $0.0e+00;
	v60 =	vtrunc.f32 v60;
	v44 =	vld.idx.msk [tilespmem:v26+s2+$0x0], $0xffff;
	v32 =	vcvt.f32.s32 v55  }
0x259: {  	v26 =	vadd.f32 v37, v33;
	v33 =	vcvt.f32.s32 v56;
	v22 =	vcvt.f32.s32 v60;
	v60 =	vld [tilespmem:$0x1FE70]  }
0x25a: {  	p1 =	sne.s32 s6, $0x3700;
	v57 =	vtrunc.f32 v57;
	v63 =	vmin.f32 v63, $1.270000000e+02;
	v30 =	vcvt.f32.s32 v61;
	v61 =	vld [tilespmem:$0x1FE80]  }
.Ltmp2:
0x25b: {  	v53 =	vld.idx.msk [tilespmem:v23+s2+$0x0], $0xffff;
	v25 =	vcvt.f32.s32 v5;
	[tilespmem:s0+$0x17820] =	vst v1;
	v63 =	vtrunc.f32 v63;
	(pc) =	sbr.rel @p1 .LBB2_7-.Ltmp2, $4  }
0x25c: {  	v24 =	vcvt.f32.s32 v9;
	v23 =	vcvt.f32.s32 v57;
	v55 =	vld.idx.msk [tilespmem:v19+s2+$0x0], $0xffff;
	[tilespmem:s18+$0x17C50] =	vst v47  }
0x25d: {  	v31 =	vcvt.f32.s32 v62;
	v47 =	vld.idx.msk [tilespmem:v27+s2+$0x0], $0xffff;
	[tilespmem:s0+$0x17810] =	vst v26;
	v26 =	vcvt.f32.s32 v0;
	v62 =	vmov v50  }
0x25e: {  	s5 =	sadd.s32 $0x80, s5;
	v27 =	vcvt.f32.s32 v4;
	v19 =	vcvt.f32.s32 v63;
	[tilespmem:$0x1FE70] =	vst v62;
	v63 =	vmov v51;
	v56 =	vld.idx.msk [tilespmem:v32+s17+$0x0], $0xffff  }
0x25f: {  	s11 =	sand.u32 $0x380, s5;
	s10 =	sand.u32 $0x3800, s6;
	s6 =	sadd.s32 $0x100, s6;
	v58 =	vmul.f32 v58, v60;
	v35 =	vmul.f32 v59, v61;
	[tilespmem:$0x1FE80] =	vst v63;
	v57 =	vld.idx.msk [tilespmem:v33+s17+$0x0], $0xffff  }
0x260: {  	_ =	sdelay $0x3  }
0x261: {  	v0 =	vld.idx.msk [tilespmem:v30+s17+$0x0], $0xffff  }
0x262: {  	v61 =	vld [tilespmem:$0x1FE20]  }
0x263: {  	v62 =	vld [tilespmem:$0x1FE40]  }
0x264: {  	s5 =	sor.u32 s11, s10;
	v63 =	vld [tilespmem:$0x1FE50]  }
0x265: {  	v1 =	vld [tilespmem:s5+$0xD450]  }
0x266: {  	v2 =	vld [tilespmem:s5+$0xD000]  }
0x267: {  	v3 =	vld [tilespmem:s5+$0xD010]  }
0x268: {  	v4 =	vld [tilespmem:s5+$0xD020]  }
0x269: {  	v5 =	vld [tilespmem:s5+$0xD030]  }
0x26a: {  	v9 =	vld [tilespmem:s5+$0xD040];
	v1 =	vmul.f32 $2.560000040e+01, v1  }
0x26b: {  	v50 =	vld [tilespmem:s5+$0xD050]  }
0x26c: {  	v51 =	vld [tilespmem:s5+$0xD060];
	v1 =	vadd.f32 $6.400000000e+01, v1  }
0x26d: {  	v59 =	vld [tilespmem:s5+$0xD070]  }
0x26e: {  	v60 =	vld [tilespmem:s5+$0xD400];
	v34 =	vmul.f32 v34, v61;
	v37 =	vmax.f32 v1, $0.0e+00  }
0x26f: {  	v46 =	vadd.f32 v35, v46;
	v35 =	vmul.f32 v40, v11;
	v61 =	vld [tilespmem:$0x1FE30];
	v37 =	vmin.f32 v37, $1.270000000e+02  }
0x270: {  	v11 =	vmul.f32 v41, v15;
	v41 =	vadd.f32 v34, v45;
	v45 =	vld.idx.msk [tilespmem:v31+s17+$0x0], $0xffff;
	v37 =	vtrunc.f32 v37  }
0x271: {  	v48 =	vadd.f32 v58, v48;
	v58 =	vcvt.f32.s32 v37;
	v37 =	vmul.f32 v42, v16;
	v42 =	vld [tilespmem:$0x1FE60]  }
0x272: {  	v40 =	vld [tilespmem:s5+$0xD440]  }
0x273: {  	v38 =	vmul.f32 v38, v62;
	v62 =	vld [tilespmem:s5+$0xD420]  }
0x274: {  	v39 =	vmul.f32 v39, v63;
	v63 =	vld [tilespmem:s5+$0xD430]  }
0x275: {  	v36 =	vmul.f32 v36, v61;
	v61 =	vld [tilespmem:s5+$0xD410];
	[tilespmem:$0x1FDC0] =	vst v45  }
0x276: {  	v16 =	vmul.f32 v43, v42;
	v42 =	vmul.f32 v56, v21;
	v56 =	vld.idx.msk [tilespmem:v28+s17+$0x0], $0xffff;
	_ =	sdelay $0x4  }
0x277: {  	[tilespmem:$0x1FDD0] =	vst v56  }
0x278: {  	v45 =	vmul.f32 v57, v20;
	v57 =	vld.idx.msk [tilespmem:v29+s17+$0x0], $0xffff;
	_ =	sdelay $0x4  }
0x279: {  	v43 =	vadd.f32 v36, v44;
	[tilespmem:$0x1FDE0] =	vst v57  }
0x27a: {  	v44 =	vadd.f32 v38, v47;
	v47 =	vadd.f32 v39, v49;
	v39 =	vld.idx.msk [tilespmem:v26+s17+$0x0], $0xffff  }
0x27b: {  	v49 =	vadd.f32 v35, v52;
	v52 =	vadd.f32 v11, v53;
	v15 =	vld.idx.msk [tilespmem:v58+s17+$0x0], $0xffff  }
0x27c: {  	v2 =	vmul.f32 $2.560000040e+01, v2;
	v53 =	vadd.f32 v37, v54;
	v54 =	vadd.f32 v16, v55;
	v55 =	vld.idx.msk [tilespmem:v27+s17+$0x0], $0xffff  }
0x27d: {  	v3 =	vmul.f32 $2.560000040e+01, v3;
	v4 =	vmul.f32 $2.560000040e+01, v4;
	v16 =	vld.idx.msk [tilespmem:v58+s2+$0x0], $0xffff  }
0x27e: {  	v34 =	vadd.f32 $6.400000000e+01, v2;
	v38 =	vmul.f32 v0, v18;
	v0 =	vmul.f32 $2.560000040e+01, v50;
	v50 =	vld.idx.msk [tilespmem:v25+s17+$0x0], $0xffff  }
0x27f: {  	v40 =	vmul.f32 $2.560000040e+01, v40;
	v2 =	vmul.f32 $2.560000040e+01, v51;
	v56 =	vld.idx.msk [tilespmem:v24+s17+$0x0], $0xffff  }
0x280: {  	v51 =	vmax.f32 v34, $0.0e+00;
	v20 =	vadd.f32 $6.400000000e+01, v4;
	v11 =	vmul.f32 $2.560000040e+01, v5;
	v32 =	vld.idx.msk [tilespmem:v32+s2+$0x0], $0xffff  }
0x281: {  	v35 =	vadd.f32 $6.400000000e+01, v3;
	v3 =	vmul.f32 $2.560000040e+01, v59;
	v18 =	vmul.f32 $2.560000040e+01, v61;
	v33 =	vld.idx.msk [tilespmem:v33+s2+$0x0], $0xffff  }
0x282: {  	v21 =	vmul.f32 $2.560000040e+01, v62;
	v61 =	vmul.f32 $2.560000040e+01, v63;
	v36 =	vadd.f32 $6.400000000e+01, v11;
	v30 =	vld.idx.msk [tilespmem:v30+s2+$0x0], $0xffff  }
0x283: {  	v11 =	vadd.f32 $6.400000000e+01, v2;
	v4 =	vadd.f32 $6.400000000e+01, v3;
	v57 =	vmul.f32 $2.560000040e+01, v9;
	v31 =	vld.idx.msk [tilespmem:v31+s2+$0x0], $0xffff  }
0x284: {  	v59 =	vmax.f32 v36, $0.0e+00;
	v9 =	vadd.f32 $6.400000000e+01, v0;
	v0 =	vmul.f32 $2.560000040e+01, v60;
	v28 =	vld.idx.msk [tilespmem:v28+s2+$0x0], $0xffff  }
0x285: {  	v63 =	vmax.f32 v11, $0.0e+00;
	v58 =	vmax.f32 v20, $0.0e+00;
	v29 =	vld.idx.msk [tilespmem:v29+s2+$0x0], $0xffff;
	[tilespmem:s0+$0x17830] =	vst v48;
	v37 =	vadd.f32 $6.400000000e+01, v57  }
0x286: {  	v26 =	vld.idx.msk [tilespmem:v26+s2+$0x0], $0xffff;
	[tilespmem:s0+$0x17840] =	vst v46;
	v57 =	vmax.f32 v35, $0.0e+00;
	v5 =	vadd.f32 $6.400000000e+01, v0;
	v0 =	vmin.f32 v58, $1.270000000e+02  }
0x287: {  	v27 =	vld.idx.msk [tilespmem:v27+s2+$0x0], $0xffff;
	[tilespmem:s0+$0x17850] =	vst v41;
	v62 =	vmax.f32 v9, $0.0e+00;
	v2 =	vmin.f32 v57, $1.270000000e+02;
	v57 =	vtrunc.f32 v0  }
0x288: {  	v25 =	vld.idx.msk [tilespmem:v25+s2+$0x0], $0xffff;
	[tilespmem:s0+$0x17860] =	vst v43;
	v58 =	vmin.f32 v59, $1.270000000e+02;
	v60 =	vmax.f32 v37, $0.0e+00;
	v57 =	vcvt.f32.s32 v57  }
0x289: {  	v24 =	vld.idx.msk [tilespmem:v24+s2+$0x0], $0xffff;
	[tilespmem:s0+$0x17870] =	vst v44;
	v59 =	vmin.f32 v60, $1.270000000e+02;
	v1 =	vmul.f32 v15, v1;
	v15 =	vadd.f32 $6.400000000e+01, v18  }
0x28a: {  	[tilespmem:s0+$0x17C00] =	vst v47;
	v18 =	vadd.f32 $6.400000000e+01, v21;
	v21 =	vadd.f32 $6.400000000e+01, v61;
	v61 =	vmin.f32 v63, $1.270000000e+02;
	v63 =	vld.idx.msk [tilespmem:v23+s17+$0x0], $0xffff  }
0x28b: {  	[tilespmem:s0+$0x17C10] =	vst v49;
	v60 =	vmin.f32 v62, $1.270000000e+02;
	v23 =	vld.idx.msk [tilespmem:v23+s2+$0x0], $0xffff;
	v46 =	vtrunc.f32 v59;
	v3 =	vadd.f32 v1, v16  }
0x28c: {  	[tilespmem:s0+$0x17C20] =	vst v52;
	v1 =	vmin.f32 v51, $1.270000000e+02;
	v51 =	vtrunc.f32 v2;
	v2 =	vtrunc.f32 v58;
	v58 =	vld.idx.msk [tilespmem:v22+s17+$0x0], $0xffff  }
0x28d: {  	[tilespmem:s0+$0x17C30] =	vst v53;
	v46 =	vcvt.f32.s32 v46;
	v16 =	vadd.f32 $6.400000000e+01, v40;
	v22 =	vld.idx.msk [tilespmem:v22+s2+$0x0], $0xffff;
	v40 =	vtrunc.f32 v1  }
0x28e: {  	[tilespmem:s0+$0x17C40] =	vst v54;
	v1 =	vmax.f32 v4, $0.0e+00;
	v48 =	vcvt.f32.s32 v2;
	v2 =	vtrunc.f32 v60;
	v60 =	vld.idx.msk [tilespmem:v19+s17+$0x0], $0xffff  }
0x28f: {  	v32 =	vadd.f32 v42, v32;
	v51 =	vcvt.f32.s32 v51;
	v19 =	vld.idx.msk [tilespmem:v19+s2+$0x0], $0xffff;
	v62 =	vmin.f32 v1, $1.270000000e+02;
	[tilespmem:s5+$0x17C50] =	vst v3  }
0x290: {  	v40 =	vcvt.f32.s32 v40;
	v1 =	vmax.f32 v15, $0.0e+00;
	v3 =	vadd.f32 v45, v33;
	v33 =	vld [tilespmem:$0x1FE70]  }
0x291: {  	v41 =	vmin.f32 v1, $1.270000000e+02;
	v1 =	vtrunc.f32 v61;
	v61 =	vtrunc.f32 v62;
	v54 =	vld [tilespmem:$0x1FDC0];
	[tilespmem:s18+$0x17800] =	vst v32  }
0x292: {  	v59 =	vcvt.f32.s32 v2;
	v47 =	vcvt.f32.s32 v61;
	v61 =	vmax.f32 v21, $0.0e+00;
	v32 =	vld [tilespmem:$0x1FE80]  }
0x293: {  	v49 =	vmin.f32 v61, $1.270000000e+02;
	v61 =	vld.idx.msk [tilespmem:v57+s17+$0x0], $0xffff  }
0x294: {  	v53 =	vld.idx.msk [tilespmem:v46+s17+$0x0], $0xffff  }
0x295: {  	v2 =	vmax.f32 v18, $0.0e+00;
	v43 =	vcvt.f32.s32 v1;
	v1 =	vld.idx.msk [tilespmem:v51+s17+$0x0], $0xffff  }
0x296: {  	v52 =	vmax.f32 v16, $0.0e+00;
	v44 =	vmin.f32 v2, $1.270000000e+02;
	v2 =	vld.idx.msk [tilespmem:v48+s17+$0x0], $0xffff  }
0x297: {  	v52 =	vmin.f32 v52, $1.270000000e+02;
	v41 =	vtrunc.f32 v41;
	v62 =	vld.idx.msk [tilespmem:v40+s17+$0x0], $0xffff  }
0x298: {  	v0 =	vmax.f32 v5, $0.0e+00;
	v42 =	vtrunc.f32 v52;
	v41 =	vcvt.f32.s32 v41;
	v52 =	vld.idx.msk [tilespmem:v59+s17+$0x0], $0xffff  }
0x299: {  	v0 =	vmin.f32 v0, $1.270000000e+02;
	v42 =	vcvt.f32.s32 v42;
	v33 =	vmul.f32 v54, v33;
	v54 =	vld [tilespmem:$0x1FDD0];
	[tilespmem:s18+$0x17810] =	vst v3  }
0x29a: {  	v0 =	vtrunc.f32 v0;
	v13 =	vmul.f32 v39, v13;
	v3 =	vld [tilespmem:$0x1FDE0]  }
0x29b: {  	v17 =	vmul.f32 v55, v17;
	v14 =	vmul.f32 v50, v14;
	v45 =	vld.idx.msk [tilespmem:v43+s17+$0x0], $0xffff  }
0x29c: {  	v30 =	vadd.f32 v38, v30;
	v0 =	vcvt.f32.s32 v0;
	v49 =	vtrunc.f32 v49;
	v38 =	vld.idx.msk [tilespmem:v47+s17+$0x0], $0xffff  }
0x29d: {  	v7 =	vmul.f32 v56, v7;
	v49 =	vcvt.f32.s32 v49;
	v47 =	vld.idx.msk [tilespmem:v47+s2+$0x0], $0xffff  }
0x29e: {  	v13 =	vadd.f32 v13, v26;
	v17 =	vadd.f32 v17, v27;
	[tilespmem:s18+$0x17820] =	vst v30;
	v30 =	vld.idx.msk [tilespmem:v41+s17+$0x0], $0xffff  }
0x29f: {  	v14 =	vadd.f32 v14, v25;
	v7 =	vadd.f32 v7, v24;
	v6 =	vmul.f32 v63, v6;
	v27 =	vld.idx.msk [tilespmem:v42+s17+$0x0], $0xffff  }
0x2a0: {  	v8 =	vmul.f32 v58, v8;
	[tilespmem:s18+$0x17860] =	vst v13;
	v1 =	vmul.f32 v1, v35;
	v35 =	vld.idx.msk [tilespmem:v46+s2+$0x0], $0xffff  }
0x2a1: {  	v44 =	vtrunc.f32 v44;
	v6 =	vadd.f32 v6, v23;
	v10 =	vmul.f32 v60, v10;
	[tilespmem:s18+$0x17870] =	vst v17;
	v46 =	vld.idx.msk [tilespmem:v43+s2+$0x0], $0xffff  }
0x2a2: {  	v44 =	vcvt.f32.s32 v44;
	[tilespmem:s18+$0x17C00] =	vst v14;
	v32 =	vmul.f32 v54, v32;
	v54 =	vadd.f32 v33, v31;
	v31 =	vld.idx.msk [tilespmem:v0+s17+$0x0], $0xffff  }
0x2a3: {  	v8 =	vadd.f32 v8, v22;
	[tilespmem:s18+$0x17C10] =	vst v7;
	v26 =	vld.idx.msk [tilespmem:v49+s17+$0x0], $0xffff  }
0x2a4: {  	v10 =	vadd.f32 v10, v19;
	[tilespmem:s18+$0x17C20] =	vst v6;
	v33 =	vmul.f32 v62, v34;
	v34 =	vld.idx.msk [tilespmem:v48+s2+$0x0], $0xffff  }
0x2a5: {  	[tilespmem:s18+$0x17C30] =	vst v8;
	v39 =	vmul.f32 v61, v20;
	v0 =	vld.idx.msk [tilespmem:v0+s2+$0x0], $0xffff;
	v3 =	vmul.f32 v3, v12  }
0x2a6: {  	[tilespmem:s18+$0x17C40] =	vst v10;
	v50 =	vmul.f32 v53, v37;
	v55 =	vld.idx.msk [tilespmem:v49+s2+$0x0], $0xffff;
	v28 =	vadd.f32 v32, v28  }
0x2a7: {  	[tilespmem:s18+$0x17830] =	vst v54;
	v32 =	vld.idx.msk [tilespmem:v57+s2+$0x0], $0xffff;
	v53 =	vmul.f32 v45, v11;
	v3 =	vadd.f32 v3, v29  }
0x2a8: {  	v12 =	vld.idx.msk [tilespmem:v44+s17+$0x0], $0xffff;
	v4 =	vmul.f32 v38, v4;
	[tilespmem:s18+$0x17840] =	vst v28;
	v6 =	vadd.f32 v50, v35  }
0x2a9: {  	v2 =	vmul.f32 v2, v36;
	v57 =	vld.idx.msk [tilespmem:v42+s2+$0x0], $0xffff;
	v56 =	vadd.f32 v53, v46;
	[tilespmem:s18+$0x17850] =	vst v3  }
0x2aa: {  	v29 =	vld.idx.msk [tilespmem:v51+s2+$0x0], $0xffff;
	v51 =	vmul.f32 v52, v9;
	v4 =	vadd.f32 v4, v47;
	[tilespmem:s5+$0x17840] =	vst v6  }
0x2ab: {  	v52 =	vld.idx.msk [tilespmem:v41+s2+$0x0], $0xffff;
	v2 =	vadd.f32 v2, v34;
	v5 =	vmul.f32 v31, v5;
	[tilespmem:s5+$0x17860] =	vst v56  }
0x2ac: {  	v28 =	vld.idx.msk [tilespmem:v40+s2+$0x0], $0xffff;
	v60 =	vmul.f32 v26, v21;
	[tilespmem:s5+$0x17870] =	vst v4;
	v48 =	vadd.f32 v39, v32  }
0x2ad: {  	v40 =	vld.idx.msk [tilespmem:v59+s2+$0x0], $0xffff;
	v3 =	vmul.f32 v27, v16;
	[tilespmem:s5+$0x17830] =	vst v2;
	v0 =	vadd.f32 v5, v0  }
0x2ae: {  	v62 =	vadd.f32 v60, v55;
	[tilespmem:s5+$0x17820] =	vst v48  }
0x2af: {  	v54 =	vld.idx.msk [tilespmem:v44+s2+$0x0], $0xffff;
	v58 =	vmul.f32 v30, v15;
	v63 =	vadd.f32 v3, v57;
	[tilespmem:s5+$0x17C00] =	vst v0  }
0x2b0: {  	v1 =	vadd.f32 v1, v29;
	[tilespmem:s5+$0x17C30] =	vst v62  }
0x2b1: {  	v61 =	vadd.f32 v58, v52;
	[tilespmem:s5+$0x17C40] =	vst v63  }
0x2b2: {  	v59 =	vmul.f32 v12, v18;
	[tilespmem:s5+$0x17810] =	vst v1;
	v1 =	vadd.f32 v51, v40  }
0x2b3: {  	v13 =	vadd.f32 v33, v28;
	[tilespmem:s5+$0x17C10] =	vst v61  }
0x2b4: {  	[tilespmem:s5+$0x17850] =	vst v1;
	v1 =	vadd.f32 v59, v54  }
0x2b5: {  	s20 =	sshll.u32 s20, $0x5;
	[tilespmem:s5+$0x17800] =	vst v13  }
0x2b6: {  	s0 =	sadd.s32 s3, s20;
	[tilespmem:s5+$0x17C20] =	vst v1  }
0x2b7: {  	[hbm4b:s0+s4] =	stream.linear.scatter [tilespmem:s24], [sflag:$0x3], $0x3800, $0x38;
	[tilespmem:$0x1B000] =	vst v63  }
0x2b8: {  	s28 =	sadd.s32 $0x1, s28;
	s0 =	sadd.s32 @!p0 s29, s14  }
0x2b9: {  	s30 =	sand.u32 $0x3, s19;
	p1 =	sne.s32 s28, $0x20;
	s0 =	sshll.u32 @!p0 s0, $0x5  }
0x2ba: {  	s2 =	simm.s32 @!p0 $0x0;
	s5 =	simm.s32 @!p0 $0xD000;
	s0 =	sadd.s32 @!p0 s1, s0  }
0x2bb: {  	[tilespmem:s5], [sflag:$0x2] =	stream.linear.gather @!p0 [hbm4b:s0+s2], $0x3800, $0x38;
	[tilespmem:$0x1B000] =	vst v63  }
.Ltmp3:
0x2bc: {  	p0 =	seq.s32 s30, $0x3;
	s0 =	simm.s32 $0x1;
	(pc) =	sbr.rel @p1 .LBB2_2-.Ltmp3, $4  }
0x2bd: {  	s0 =	simm.s32 @!p0 $0x0  }
0x2be: {  	s31 =	sadd.s32 s0, s31  }
0x2bf: {  	p0 =	sgt.s32 s31, $0x5F;
	s0 =	sadd.s32 $0xFFFFFFA0, s31  }
0x2c0: {  	s31 =	smov.u32 @p0 s0  }
0x2c1: {  	_ =	swait.ge [sflag:s25], $0x3800  }
0x2c2: {  	[sflag:s25] =	ssyncset.done $0x0  }
0x2c3: {  	s26 =	sadd.s32 $0x1, s26;
	[sflag:s25] =	ssyncadd.s32 $0xFFFFC800  }
0x2c4: {  	p0 =	sne.s32 s26, s15;
	_ =	swait.ge [sflag:s25], $0x3800  }
.Ltmp4:
0x2c5: {  	[sflag:s25] =	ssyncset.done $0x0;
	(pc) =	sbr.rel @p0 .LBB2_1-.Ltmp4, $4  }
0x2c6: {  	[sflag:s25] =	ssyncadd.s32 $0xFFFFC800  }
0x2c7: {  	_ =	swait.ge [sflag:s25], $0x3800  }
0x2c8: {  	[sflag:s25] =	ssyncset.done $0x0  }
0x2c9: {  	[sflag:s25] =	ssyncadd.s32 $0xFFFFC800  }
0x2ca: {  	_ =	sfence.sel $0x180000  }
0x2cb: {  	[bflag:$0x0] =	sbarrier.arrive $0xFFFF  }
0x2cc: {  	_ =	strace $0x90000047  }
0x2cd: {  	s0 =	stileid.u32;
	[bflag:$0x2] =	sbarrier.arrive $0xFFFF  }
0x2ce: {  	p0 =	sne.s32 s0, $0x0;
	s0 =	rddreg [dreg:$0x3]  }
0x2cf: {  	s0 =	sadd.s32 @!p0 $0x100000, s0  }
0x2d0: {  	[sflag:s0] =	ssyncadd.tile.s32 @!p0 $0x1;
	_ =	shalt  }
.Lfunc_end2:
_tile_overlayer_lowered:
.L_overlay_start_2:
0x2d1: {  	(tag) =	ssettag $0x2  }
0x2d2: {  	s0 =	rddreg [dreg:$0x0];
	s2 =	stileid.u32  }
0x2d3: {  	s1 =	rddreg [dreg:$0x1];
	p0 =	sne.s32 s2, $0x0  }
0x2d4: {  	s3 =	rddreg [dreg:$0x2];
	[bflag:$0x3] =	sbarrier.arrive $0xFFFF;
	s2 =	simm.s32 @!p0 $0x1C04  }
0x2d5: {  	[timem:s3], [sflag:s2] =	dma.local @!p0 [hbm:s0], s1  }
0x2d6: {  	s0 =	simm.s32 @!p0 $0x4  }
0x2d7: {  	_ =	swait.ge @!p0 [sflag:s0], s1  }
0x2d8: {  	s1 =	ssub.s32 @!p0 $0x0, s1;
	[sflag:s0] =	ssyncset.done @!p0 $0x0  }
0x2d9: {  	[sflag:s0] =	ssyncadd.s32 @!p0 s1  }
0x2da: {  	[bflag:$0x3] =	sbarrier.arrive $0xFFFF  }
0x2db: {  	_ =	shalt  }

</sc_bundles>
